<compile_context>
chip_gen: v7x
topology: tpu7x:2x2x1
jax: 0.10.2.dev20260603
libtpu: 0.0.44.dev20260713+nightly
codegen_flags: <defaults>
</compile_context>

<pallas_src>
import functools

import jax
import jax.numpy as jnp
from jax import lax
from jax.experimental import pallas as pl
from jax.experimental.pallas import tpu as pltpu
from jax.experimental.pallas import tpu_sc as plsc

_B = 16384
_D = 16
_G = 8
_GW = _G * _D
_NC = 2
_NS = 16
_NW = _NC * _NS
_BPW = _B // _NW
_CHUNK = 128
_NCHUNK = _BPW // _CHUNK

_BLK = 1024


def _gather_body(user_h, pos_h, neg_h, mfu_t, mfi_t, mlu_t, mli_t,
                 o_mfu, o_mfp, o_mfn, o_mlu, o_mlp, o_mln,
                 uidx, pidx, nidx, buf0, buf1,
                 sg0, sg1, so0, so1):
    wid = lax.axis_index("s") * _NC + lax.axis_index("c")
    base = wid * _BPW
    pltpu.sync_copy(user_h.at[pl.ds(base, _BPW)], uidx)
    pltpu.sync_copy(pos_h.at[pl.ds(base, _BPW)], pidx)
    pltpu.sync_copy(neg_h.at[pl.ds(base, _BPW)], nidx)

    units = []
    for tab, idx, dst in ((mfu_t, uidx, o_mfu), (mlu_t, uidx, o_mlu),
                          (mfi_t, pidx, o_mfp), (mli_t, pidx, o_mlp),
                          (mfi_t, nidx, o_mfn), (mli_t, nidx, o_mln)):
        for c in range(_NCHUNK):
            units.append((tab, idx, dst, c))

    bufs = (buf0, buf1)
    gsems = (sg0, sg1)
    osems = (so0, so1)

    def start_gather(u, b):
        tab, idx, _, c = units[u]
        return pltpu.async_copy(
            tab.at[idx.at[pl.ds(c * _CHUNK, _CHUNK)]], bufs[b], gsems[b])

    def start_out(u, b):
        _, _, dst, c = units[u]
        return pltpu.async_copy(
            bufs[b], dst.at[pl.ds(base + c * _CHUNK, _CHUNK)], osems[b])

    n = len(units)
    gath = start_gather(0, 0)
    outc = [None, None]
    for u in range(n):
        b = u % 2
        nb = 1 - b
        gath.wait()
        if u + 1 < n:
            if outc[nb] is not None:
                outc[nb].wait()
                outc[nb] = None
            next_gath = start_gather(u + 1, nb)
        outc[b] = start_out(u, b)
        if u + 1 < n:
            gath = next_gath
    for oc in outc:
        if oc is not None:
            oc.wait()


@jax.jit
def _gather6(user_g, pos_g, neg_g, mfu_t, mfi_t, mlu_t, mli_t):
    mesh = plsc.VectorSubcoreMesh(core_axis_name="c", subcore_axis_name="s")
    out = jax.ShapeDtypeStruct((_B, _GW), jnp.float32)
    f = pl.kernel(
        _gather_body,
        out_type=[out] * 6,
        mesh=mesh,
        scratch_types=(
            [pltpu.VMEM((_BPW,), jnp.int32)] * 3
            + [pltpu.VMEM((_CHUNK, _GW), jnp.float32)] * 2
            + [pltpu.SemaphoreType.DMA] * 4
        ),
    )
    return f(user_g, pos_g, neg_g, mfu_t, mfi_t, mlu_t, mli_t)


_U = 1000000
_NG = 125440
_RB = 4480
_TAIL = (_G - 1) * _NG


def _regroup_body(x1, x2, x3, x4, e1, e2, e3, e4, y1, y2, y3, y4, slab, sem):
    i = pl.program_id(0)
    nblk = pl.num_programs(0)
    xs = (x1, x2, x3, x4)
    es = (e1, e2, e3, e4)

    def src(ti, j, step):
        if j < _G - 1:
            return xs[ti].at[:, pl.ds(j * _NG + step * _RB, _RB)]
        return es[ti].at[:, pl.ds(step * _RB, _RB)]

    def start_all(step, buf):
        for ti in range(4):
            for j in range(_G):
                pltpu.make_async_copy(
                    src(ti, j, step),
                    slab.at[buf, ti, pl.ds(j * _D, _D)], sem.at[buf]).start()

    @pl.when(i == 0)
    def _():
        start_all(0, 0)

    @pl.when(i + 1 < nblk)
    def _():
        start_all(i + 1, (i + 1) % 2)

    eye = jnp.eye(_GW, dtype=jnp.bfloat16)
    ys = (y1, y2, y3, y4)
    b = i % 2
    dims = (((0,), (0,)), ((), ()))
    for ti in range(4):
        for j in range(_G):
            pltpu.make_async_copy(
                src(ti, j, i), slab.at[b, ti, pl.ds(j * _D, _D)], sem.at[b]).wait()
        x = slab[b, ti]
        hi = x.astype(jnp.bfloat16)
        lo = (x - hi.astype(jnp.float32)).astype(jnp.bfloat16)
        yh = jax.lax.dot_general(hi, eye, dims,
                                 preferred_element_type=jnp.float32)
        yl = jax.lax.dot_general(lo, eye, dims,
                                 preferred_element_type=jnp.float32)
        ys[ti][...] = yh + yl


def _regroup(t1, t2, t3, t4):
    nblk = _NG // _RB
    in_spec = pl.BlockSpec(memory_space=pl.ANY)
    out_spec = pl.BlockSpec((_RB, _GW), lambda i: (i, 0))
    out = jax.ShapeDtypeStruct((_NG, _GW), jnp.float32)
    tails = [jnp.pad(t[:, _TAIL:], ((0, 0), (0, _NG - (_U - _TAIL))))
             for t in (t1, t2, t3, t4)]
    return pl.pallas_call(
        _regroup_body,
        grid=(nblk,),
        in_specs=[in_spec] * 8,
        out_specs=[out_spec] * 4,
        out_shape=[out] * 4,
        scratch_shapes=[
            pltpu.VMEM((2, 4, _GW, _RB), jnp.float32),
            pltpu.SemaphoreType.DMA((2,)),
        ],
    )(t1, t2, t3, t4, *tails)


def _extract(rows, j):
    acc = None
    for t in range(_G):
        part = jnp.where(j == t, rows[:, t * _D:(t + 1) * _D], 0.0)
        acc = part if acc is None else acc + part
    return acc


def _tower_body(gmfu, gmfp, gmfn, gmlu, gmlp, gmln, ju, jp, jn,
                w1u, w1i, b1, w2, b2, w3, b3, w4, b4, wdm, wdl, bd, out):
    f32 = jnp.float32
    ju_ = ju[...] // _NG
    jp_ = jp[...] // _NG
    jn_ = jn[...] // _NG
    mfu = _extract(gmfu[...], ju_)
    mlu = _extract(gmlu[...], ju_)
    mfp = _extract(gmfp[...], jp_)
    mlpos = _extract(gmlp[...], jp_)
    mfn = _extract(gmfn[...], jn_)
    mlneg = _extract(gmln[...], jn_)
    xu = jnp.dot(mlu, w1u[...], preferred_element_type=f32)
    hp = jnp.maximum(xu + jnp.dot(mlpos, w1i[...],
                                  preferred_element_type=f32) + b1[...], 0.0)
    hn = jnp.maximum(xu + jnp.dot(mlneg, w1i[...],
                                  preferred_element_type=f32) + b1[...], 0.0)
    for w, b in ((w2, b2), (w3, b3), (w4, b4)):
        hp = jnp.maximum(jnp.dot(hp, w[...], preferred_element_type=f32) + b[...], 0.0)
        hn = jnp.maximum(jnp.dot(hn, w[...], preferred_element_type=f32) + b[...], 0.0)
    mfp_v = jax.nn.sigmoid(mfu * mfp)
    mfn_v = jax.nn.sigmoid(mfu * mfn)
    sp = (jnp.dot(mfp_v, wdm[...], preferred_element_type=f32)
          + jnp.dot(hp, wdl[...], preferred_element_type=f32) + bd[0, 0])
    sn = (jnp.dot(mfn_v, wdm[...], preferred_element_type=f32)
          + jnp.dot(hn, wdl[...], preferred_element_type=f32) + bd[0, 0])
    out[...] = jnp.concatenate([sp, sn], axis=1)


def _tower(gmfu, gmfp, gmfn, gmlu, gmlp, gmln, ju, jp, jn,
           w1u, w1i, b1, w2, b2, w3, b3, w4, b4, wdm, wdl, bd,
           interpret=False):
    gspec = pl.BlockSpec((_BLK, _GW), lambda i: (i, 0))
    jspec = pl.BlockSpec((_BLK, 1), lambda i: (i, 0))

    def _full(a):
        return pl.BlockSpec(a.shape, lambda i: (0,) * a.ndim)

    weights = (w1u, w1i, b1, w2, b2, w3, b3, w4, b4, wdm, wdl, bd)
    return pl.pallas_call(
        _tower_body,
        grid=(_B // _BLK,),
        in_specs=[gspec] * 6 + [jspec] * 3 + [_full(w) for w in weights],
        out_specs=pl.BlockSpec((_BLK, 2), lambda i: (i, 0)),
        out_shape=jax.ShapeDtypeStruct((_B, 2), jnp.float32),
        interpret=interpret,
    )(gmfu, gmfp, gmfn, gmlu, gmlp, gmln, ju, jp, jn, *weights)


def kernel(user, pos_item, neg_item,
           mf_user_table, mf_item_table, mlp_user_table, mlp_item_table,
           W1, b1, W2, b2, W3, b3, W4, b4, Wd, bd):
    user = user.astype(jnp.int32)
    pos = pos_item.astype(jnp.int32)
    neg = neg_item.reshape(-1).astype(jnp.int32)
    g_mfu_t, g_mfi_t, g_mlu_t, g_mli_t = _regroup(
        mf_user_table.T, mf_item_table.T,
        mlp_user_table.T, mlp_item_table.T)
    gmfu, gmfp, gmfn, gmlu, gmlp, gmln = _gather6(
        user % _NG, pos % _NG, neg % _NG,
        g_mfu_t, g_mfi_t, g_mlu_t, g_mli_t)
    logits = _tower(
        gmfu, gmfp, gmfn, gmlu, gmlp, gmln,
        user.reshape(-1, 1), pos.reshape(-1, 1), neg.reshape(-1, 1),
        W1[:_D], W1[_D:], b1.reshape(1, -1),
        W2, b2.reshape(1, -1), W3, b3.reshape(1, -1), W4, b4.reshape(1, -1),
        Wd[:_D], Wd[_D:], bd.reshape(1, 1))
    return logits

# --- scband reference (transcript-rebuilt; emitter-appended) ---
"""Pipeline reference for scband-ncf-55138790146760 (READ-ONLY COPY).

The authoritative reference and input builder live on the scoring server;
editing this copy changes nothing except your own understanding.
"""

import jax, jax.numpy as jnp
import numpy as np

B = 16384
U = 1000000
I = 1000000
D = 16
HIDDEN = [64, 32, 16, 8]


def setup_inputs(seed: int = 0) -> dict:
    key = jax.random.key(seed)
    ks = jax.random.split(key, 20)
    user = jax.random.randint(ks[0], (B,), 0, U)
    pos_item = jax.random.randint(ks[1], (B,), 0, I)
    neg_item = jax.random.randint(ks[2], (B, 1), 0, I)
    mf_user_table = jax.random.normal(ks[3], (U, D), dtype=jnp.float32) * 0.05
    mf_item_table = jax.random.normal(ks[4], (I, D), dtype=jnp.float32) * 0.05
    mlp_user_table = jax.random.normal(ks[5], (U, D), dtype=jnp.float32) * 0.05
    mlp_item_table = jax.random.normal(ks[6], (I, D), dtype=jnp.float32) * 0.05
    dims = [2 * D] + HIDDEN
    Ws, bs = [], []
    for li in range(len(HIDDEN)):
        fan_in = dims[li]
        Ws.append(jax.random.normal(ks[7 + li], (dims[li], dims[li + 1]), dtype=jnp.float32) / np.sqrt(fan_in))
        bs.append(jnp.zeros((dims[li + 1],), dtype=jnp.float32))
    Wd = jax.random.normal(ks[15], (D + HIDDEN[-1], 1), dtype=jnp.float32) / np.sqrt(D + HIDDEN[-1])
    bd = jnp.zeros((1,), dtype=jnp.float32)
    return {
        'user': user, 'pos_item': pos_item, 'neg_item': neg_item,
        'mf_user_table': mf_user_table, 'mf_item_table': mf_item_table,
        'mlp_user_table': mlp_user_table, 'mlp_item_table': mlp_item_table,
        'W1': Ws[0], 'b1': bs[0], 'W2': Ws[1], 'b2': bs[1],
        'W3': Ws[2], 'b3': bs[2], 'W4': Ws[3], 'b4': bs[3],
        'Wd': Wd, 'bd': bd,
    }


def reference(user, pos_item, neg_item,
              mf_user_table, mf_item_table, mlp_user_table, mlp_item_table,
              W1, b1, W2, b2, W3, b3, W4, b4, Wd, bd):
    def mlp(x):
        x = jax.nn.relu(x @ W1 + b1)
        x = jax.nn.relu(x @ W2 + b2)
        x = jax.nn.relu(x @ W3 + b3)
        x = jax.nn.relu(x @ W4 + b4)
        return x

    mf_user_embed = jnp.take(mf_user_table, user, axis=0)          # [B, D]
    mlp_user_embed = jnp.take(mlp_user_table, user, axis=0)        # [B, D]
    mf_pos_embed = jnp.take(mf_item_table, pos_item, axis=0)       # [B, D]
    mf_neg_embed = jnp.take(mf_item_table, neg_item, axis=0)       # [B, N, D]
    mlp_pos_embed = jnp.take(mlp_item_table, pos_item, axis=0)     # [B, D]
    mlp_neg_embed = jnp.take(mlp_item_table, neg_item, axis=0)     # [B, N, D]

    mf_pos_vector = jax.nn.sigmoid(mf_user_embed * mf_pos_embed)                        # [B, D]
    mf_neg_vector = jax.nn.sigmoid(mf_user_embed[:, None, :] * mf_neg_embed)            # [B, N, D]

    mlp_pos_vector = jnp.concatenate([mlp_user_embed, mlp_pos_embed], axis=-1)          # [B, 2D]
    n_neg = mlp_neg_embed.shape[1]
    mlp_neg_vector = jnp.concatenate(
        [jnp.tile(mlp_user_embed[:, None, :], (1, n_neg, 1)), mlp_neg_embed], axis=-1)  # [B, N, 2D]

    mlp_pos_vector = mlp(mlp_pos_vector)   # [B, 8]
    mlp_neg_vector = mlp(mlp_neg_vector)   # [B, N, 8]

    pos_vector = jnp.concatenate([mf_pos_vector, mlp_pos_vector], axis=-1)   # [B, D+8]
    neg_vector = jnp.concatenate([mf_neg_vector, mlp_neg_vector], axis=-1)   # [B, N, D+8]

    pos_scores = pos_vector @ Wd + bd                       # [B, 1]
    neg_scores = jnp.squeeze(neg_vector @ Wd + bd, axis=-1)  # [B, N]

    logits = jnp.concatenate([pos_scores, neg_scores], axis=-1)  # [B, N+1]
    return logits

if __name__ == "__main__":
    import jax
    _d = setup_inputs()
    print(jax.jit(kernel)(*tuple(_d.values())))

</pallas_src>

<mosaic_0001>
#map = affine_map<(d0, d1) -> (0)>
#map1 = affine_map<(d0, d1) -> (0, 0)>
module attributes {stable_mosaic.version = 14 : i64} {
  func.func @_gather_body(%arg0: i32, %arg1: i32, %arg2: memref<16384xi32, #tpu.memory_space<hbm>>, %arg3: memref<16384xi32, #tpu.memory_space<hbm>>, %arg4: memref<16384xi32, #tpu.memory_space<hbm>>, %arg5: memref<125440x128xf32, #tpu.memory_space<hbm>>, %arg6: memref<125440x128xf32, #tpu.memory_space<hbm>>, %arg7: memref<125440x128xf32, #tpu.memory_space<hbm>>, %arg8: memref<125440x128xf32, #tpu.memory_space<hbm>>, %arg9: memref<16384x128xf32, #tpu.memory_space<hbm>>, %arg10: memref<16384x128xf32, #tpu.memory_space<hbm>>, %arg11: memref<16384x128xf32, #tpu.memory_space<hbm>>, %arg12: memref<16384x128xf32, #tpu.memory_space<hbm>>, %arg13: memref<16384x128xf32, #tpu.memory_space<hbm>>, %arg14: memref<16384x128xf32, #tpu.memory_space<hbm>>, %arg15: memref<512xi32, #tpu.memory_space<vmem>>, %arg16: memref<512xi32, #tpu.memory_space<vmem>>, %arg17: memref<512xi32, #tpu.memory_space<vmem>>, %arg18: memref<128x128xf32, #tpu.memory_space<vmem>>, %arg19: memref<128x128xf32, #tpu.memory_space<vmem>>, %arg20: memref<!tpu.dma_semaphore, #tpu.memory_space<semaphore_mem>>, %arg21: memref<!tpu.dma_semaphore, #tpu.memory_space<semaphore_mem>>, %arg22: memref<!tpu.dma_semaphore, #tpu.memory_space<semaphore_mem>>, %arg23: memref<!tpu.dma_semaphore, #tpu.memory_space<semaphore_mem>>) attributes {dimension_semantics = [#tpu.dimension_semantics<core_parallel>, #tpu.dimension_semantics<subcore_parallel>], iteration_bounds = array<i64: 2, 16>, scalar_prefetch = 0 : i64, scratch_operands = 9 : i64, tpu.core_type = #tpu.core_type<sc_vector_subcore>, window_params = [{transform_indices = #map}, {transform_indices = #map}, {transform_indices = #map}, {transform_indices = #map1}, {transform_indices = #map1}, {transform_indices = #map1}, {transform_indices = #map1}, {transform_indices = #map1}, {transform_indices = #map1}, {transform_indices = #map1}, {transform_indices = #map1}, {transform_indices = #map1}, {transform_indices = #map1}]} {
    %mul3A = arith.constant 2 : i32
    %mul3A_0 = arith.muli %arg1, %mul3A : i32
    %add3A = arith.addi %mul3A_0, %arg0 : i32
    %mul3A_1 = arith.constant 512 : i32
    %mul3A_2 = arith.muli %add3A, %mul3A_1 : i32
    "tpu.region"() ({
      %run_scoped3A = tpu.sem_alloc : memref<!tpu.dma_semaphore, #tpu.memory_space<semaphore_mem>>
      %dma_start3A_481 = tpu.memref_slice %arg2[%mul3A_2] : memref<16384xi32, #tpu.memory_space<hbm>> -> memref<512xi32, #tpu.memory_space<hbm>>
      %dma_start3A_482 = tpu.memref_slice %arg2[%mul3A_2] : memref<16384xi32, #tpu.memory_space<hbm>> -> memref<512xi32, #tpu.memory_space<hbm>>
      tpu.enqueue_dma source(%dma_start3A_482 : memref<512xi32, #tpu.memory_space<hbm>>) target(%arg15 : memref<512xi32, #tpu.memory_space<vmem>>) target_semaphore(%run_scoped3A : memref<!tpu.dma_semaphore, #tpu.memory_space<semaphore_mem>>)
      %dma_wait3A_483 = tpu.memref_slice %arg2[%mul3A_2] : memref<16384xi32, #tpu.memory_space<hbm>> -> memref<512xi32, #tpu.memory_space<hbm>>
      %dma_wait3A_484 = tpu.memref_slice %arg2[%mul3A_2] : memref<16384xi32, #tpu.memory_space<hbm>> -> memref<512xi32, #tpu.memory_space<hbm>>
      tpu.wait_dma2 semaphore(%run_scoped3A : memref<!tpu.dma_semaphore, #tpu.memory_space<semaphore_mem>>) src(%dma_wait3A_484 : memref<512xi32, #tpu.memory_space<hbm>>) dst(%arg15 : memref<512xi32, #tpu.memory_space<vmem>>)
      tpu.yield
    }) : () -> ()
    "tpu.region"() ({
      %run_scoped3A = tpu.sem_alloc : memref<!tpu.dma_semaphore, #tpu.memory_space<semaphore_mem>>
      %dma_start3A_481 = tpu.memref_slice %arg3[%mul3A_2] : memref<16384xi32, #tpu.memory_space<hbm>> -> memref<512xi32, #tpu.memory_space<hbm>>
      %dma_start3A_482 = tpu.memref_slice %arg3[%mul3A_2] : memref<16384xi32, #tpu.memory_space<hbm>> -> memref<512xi32, #tpu.memory_space<hbm>>
      tpu.enqueue_dma source(%dma_start3A_482 : memref<512xi32, #tpu.memory_space<hbm>>) target(%arg16 : memref<512xi32, #tpu.memory_space<vmem>>) target_semaphore(%run_scoped3A : memref<!tpu.dma_semaphore, #tpu.memory_space<semaphore_mem>>)
      %dma_wait3A_483 = tpu.memref_slice %arg3[%mul3A_2] : memref<16384xi32, #tpu.memory_space<hbm>> -> memref<512xi32, #tpu.memory_space<hbm>>
      %dma_wait3A_484 = tpu.memref_slice %arg3[%mul3A_2] : memref<16384xi32, #tpu.memory_space<hbm>> -> memref<512xi32, #tpu.memory_space<hbm>>
      tpu.wait_dma2 semaphore(%run_scoped3A : memref<!tpu.dma_semaphore, #tpu.memory_space<semaphore_mem>>) src(%dma_wait3A_484 : memref<512xi32, #tpu.memory_space<hbm>>) dst(%arg16 : memref<512xi32, #tpu.memory_space<vmem>>)
      tpu.yield
    }) : () -> ()
    "tpu.region"() ({
      %run_scoped3A = tpu.sem_alloc : memref<!tpu.dma_semaphore, #tpu.memory_space<semaphore_mem>>
      %dma_start3A_481 = tpu.memref_slice %arg4[%mul3A_2] : memref<16384xi32, #tpu.memory_space<hbm>> -> memref<512xi32, #tpu.memory_space<hbm>>
      %dma_start3A_482 = tpu.memref_slice %arg4[%mul3A_2] : memref<16384xi32, #tpu.memory_space<hbm>> -> memref<512xi32, #tpu.memory_space<hbm>>
      tpu.enqueue_dma source(%dma_start3A_482 : memref<512xi32, #tpu.memory_space<hbm>>) target(%arg17 : memref<512xi32, #tpu.memory_space<vmem>>) target_semaphore(%run_scoped3A : memref<!tpu.dma_semaphore, #tpu.memory_space<semaphore_mem>>)
      %dma_wait3A_483 = tpu.memref_slice %arg4[%mul3A_2] : memref<16384xi32, #tpu.memory_space<hbm>> -> memref<512xi32, #tpu.memory_space<hbm>>
      %dma_wait3A_484 = tpu.memref_slice %arg4[%mul3A_2] : memref<16384xi32, #tpu.memory_space<hbm>> -> memref<512xi32, #tpu.memory_space<hbm>>
      tpu.wait_dma2 semaphore(%run_scoped3A : memref<!tpu.dma_semaphore, #tpu.memory_space<semaphore_mem>>) src(%dma_wait3A_484 : memref<512xi32, #tpu.memory_space<hbm>>) dst(%arg17 : memref<512xi32, #tpu.memory_space<vmem>>)
      tpu.yield
    }) : () -> ()
    %dma_start3A = arith.constant 0 : i32
    %dma_start3A_3 = tpu.memref_slice %arg15[%dma_start3A] : memref<512xi32, #tpu.memory_space<vmem>> -> memref<128xi32, #tpu.memory_space<vmem>>
    %dma_start3A_4 = arith.constant 0 : i32
    %dma_start3A_5 = arith.constant 0 : i32
    %dma_start3A_6 = tpu.memref_slice %arg5[%dma_start3A_4, %dma_start3A_5] : memref<125440x128xf32, #tpu.memory_space<hbm>> -> memref<125440x128xf32, #tpu.memory_space<hbm>>
    tpu.enqueue_indirect_dma source(%dma_start3A_6 : memref<125440x128xf32, #tpu.memory_space<hbm>>) target(%arg18 : memref<128x128xf32, #tpu.memory_space<vmem>>) offsets(%dma_start3A_3 : memref<128xi32, #tpu.memory_space<vmem>>) semaphore(%arg20 : memref<!tpu.dma_semaphore, #tpu.memory_space<semaphore_mem>>)
    %dma_wait3A = arith.constant 0 : i32
    %dma_wait3A_7 = tpu.memref_slice %arg15[%dma_wait3A] : memref<512xi32, #tpu.memory_space<vmem>> -> memref<128xi32, #tpu.memory_space<vmem>>
    %dma_wait3A_8 = arith.constant 0 : i32
    %dma_wait3A_9 = arith.constant 0 : i32
    %dma_wait3A_10 = tpu.memref_slice %arg5[%dma_wait3A_8, %dma_wait3A_9] : memref<125440x128xf32, #tpu.memory_space<hbm>> -> memref<125440x128xf32, #tpu.memory_space<hbm>>
    tpu.wait_indirect_dma semaphore(%arg20 : memref<!tpu.dma_semaphore, #tpu.memory_space<semaphore_mem>>) src(%dma_wait3A_10 : memref<125440x128xf32, #tpu.memory_space<hbm>>) dst(%arg18 : memref<128x128xf32, #tpu.memory_space<vmem>>)
    %dma_start3A_11 = arith.constant 128 : i32
    %dma_start3A_12 = tpu.memref_slice %arg15[%dma_start3A_11] : memref<512xi32, #tpu.memory_space<vmem>> -> memref<128xi32, #tpu.memory_space<vmem>>
    %dma_start3A_13 = arith.constant 0 : i32
    %dma_start3A_14 = arith.constant 0 : i32
    %dma_start3A_15 = tpu.memref_slice %arg5[%dma_start3A_13, %dma_start3A_14] : memref<125440x128xf32, #tpu.memory_space<hbm>> -> memref<125440x128xf32, #tpu.memory_space<hbm>>
    tpu.enqueue_indirect_dma source(%dma_start3A_15 : memref<125440x128xf32, #tpu.memory_space<hbm>>) target(%arg19 : memref<128x128xf32, #tpu.memory_space<vmem>>) offsets(%dma_start3A_12 : memref<128xi32, #tpu.memory_space<vmem>>) semaphore(%arg21 : memref<!tpu.dma_semaphore, #tpu.memory_space<semaphore_mem>>)
    %add3A_16 = arith.constant 0 : i32
    %add3A_17 = arith.addi %mul3A_2, %add3A_16 : i32
    %dma_start3A_18 = arith.constant 0 : i32
    %dma_start3A_19 = tpu.memref_slice %arg9[%add3A_17, %dma_start3A_18] : memref<16384x128xf32, #tpu.memory_space<hbm>> -> memref<128x128xf32, #tpu.memory_space<hbm>>
    %dma_start3A_20 = arith.constant 0 : i32
    %dma_start3A_21 = tpu.memref_slice %arg9[%add3A_17, %dma_start3A_20] : memref<16384x128xf32, #tpu.memory_space<hbm>> -> memref<128x128xf32, #tpu.memory_space<hbm>>
    tpu.enqueue_dma source(%arg18 : memref<128x128xf32, #tpu.memory_space<vmem>>) target(%dma_start3A_21 : memref<128x128xf32, #tpu.memory_space<hbm>>) target_semaphore(%arg22 : memref<!tpu.dma_semaphore, #tpu.memory_space<semaphore_mem>>)
    %dma_wait3A_22 = arith.constant 128 : i32
    %dma_wait3A_23 = tpu.memref_slice %arg15[%dma_wait3A_22] : memref<512xi32, #tpu.memory_space<vmem>> -> memref<128xi32, #tpu.memory_space<vmem>>
    %dma_wait3A_24 = arith.constant 0 : i32
    %dma_wait3A_25 = arith.constant 0 : i32
    %dma_wait3A_26 = tpu.memref_slice %arg5[%dma_wait3A_24, %dma_wait3A_25] : memref<125440x128xf32, #tpu.memory_space<hbm>> -> memref<125440x128xf32, #tpu.memory_space<hbm>>
    tpu.wait_indirect_dma semaphore(%arg21 : memref<!tpu.dma_semaphore, #tpu.memory_space<semaphore_mem>>) src(%dma_wait3A_26 : memref<125440x128xf32, #tpu.memory_space<hbm>>) dst(%arg19 : memref<128x128xf32, #tpu.memory_space<vmem>>)
    %dma_wait3A_27 = arith.constant 0 : i32
    %dma_wait3A_28 = tpu.memref_slice %arg9[%add3A_17, %dma_wait3A_27] : memref<16384x128xf32, #tpu.memory_space<hbm>> -> memref<128x128xf32, #tpu.memory_space<hbm>>
    %dma_wait3A_29 = arith.constant 0 : i32
    %dma_wait3A_30 = tpu.memref_slice %arg9[%add3A_17, %dma_wait3A_29] : memref<16384x128xf32, #tpu.memory_space<hbm>> -> memref<128x128xf32, #tpu.memory_space<hbm>>
    tpu.wait_dma2 semaphore(%arg22 : memref<!tpu.dma_semaphore, #tpu.memory_space<semaphore_mem>>) src(%arg18 : memref<128x128xf32, #tpu.memory_space<vmem>>) dst(%dma_wait3A_30 : memref<128x128xf32, #tpu.memory_space<hbm>>)
    %dma_start3A_31 = arith.constant 256 : i32
    %dma_start3A_32 = tpu.memref_slice %arg15[%dma_start3A_31] : memref<512xi32, #tpu.memory_space<vmem>> -> memref<128xi32, #tpu.memory_space<vmem>>
    %dma_start3A_33 = arith.constant 0 : i32
    %dma_start3A_34 = arith.constant 0 : i32
    %dma_start3A_35 = tpu.memref_slice %arg5[%dma_start3A_33, %dma_start3A_34] : memref<125440x128xf32, #tpu.memory_space<hbm>> -> memref<125440x128xf32, #tpu.memory_space<hbm>>
    tpu.enqueue_indirect_dma source(%dma_start3A_35 : memref<125440x128xf32, #tpu.memory_space<hbm>>) target(%arg18 : memref<128x128xf32, #tpu.memory_space<vmem>>) offsets(%dma_start3A_32 : memref<128xi32, #tpu.memory_space<vmem>>) semaphore(%arg20 : memref<!tpu.dma_semaphore, #tpu.memory_space<semaphore_mem>>)
    %add3A_36 = arith.constant 128 : i32
    %add3A_37 = arith.addi %mul3A_2, %add3A_36 : i32
    %dma_start3A_38 = arith.constant 0 : i32
    %dma_start3A_39 = tpu.memref_slice %arg9[%add3A_37, %dma_start3A_38] : memref<16384x128xf32, #tpu.memory_space<hbm>> -> memref<128x128xf32, #tpu.memory_space<hbm>>
    %dma_start3A_40 = arith.constant 0 : i32
    %dma_start3A_41 = tpu.memref_slice %arg9[%add3A_37, %dma_start3A_40] : memref<16384x128xf32, #tpu.memory_space<hbm>> -> memref<128x128xf32, #tpu.memory_space<hbm>>
    tpu.enqueue_dma source(%arg19 : memref<128x128xf32, #tpu.memory_space<vmem>>) target(%dma_start3A_41 : memref<128x128xf32, #tpu.memory_space<hbm>>) target_semaphore(%arg23 : memref<!tpu.dma_semaphore, #tpu.memory_space<semaphore_mem>>)
    %dma_wait3A_42 = arith.constant 256 : i32
    %dma_wait3A_43 = tpu.memref_slice %arg15[%dma_wait3A_42] : memref<512xi32, #tpu.memory_space<vmem>> -> memref<128xi32, #tpu.memory_space<vmem>>
    %dma_wait3A_44 = arith.constant 0 : i32
    %dma_wait3A_45 = arith.constant 0 : i32
    %dma_wait3A_46 = tpu.memref_slice %arg5[%dma_wait3A_44, %dma_wait3A_45] : memref<125440x128xf32, #tpu.memory_space<hbm>> -> memref<125440x128xf32, #tpu.memory_space<hbm>>
    tpu.wait_indirect_dma semaphore(%arg20 : memref<!tpu.dma_semaphore, #tpu.memory_space<semaphore_mem>>) src(%dma_wait3A_46 : memref<125440x128xf32, #tpu.memory_space<hbm>>) dst(%arg18 : memref<128x128xf32, #tpu.memory_space<vmem>>)
    %dma_wait3A_47 = arith.constant 0 : i32
    %dma_wait3A_48 = tpu.memref_slice %arg9[%add3A_37, %dma_wait3A_47] : memref<16384x128xf32, #tpu.memory_space<hbm>> -> memref<128x128xf32, #tpu.memory_space<hbm>>
    %dma_wait3A_49 = arith.constant 0 : i32
    %dma_wait3A_50 = tpu.memref_slice %arg9[%add3A_37, %dma_wait3A_49] : memref<16384x128xf32, #tpu.memory_space<hbm>> -> memref<128x128xf32, #tpu.memory_space<hbm>>
    tpu.wait_dma2 semaphore(%arg23 : memref<!tpu.dma_semaphore, #tpu.memory_space<semaphore_mem>>) src(%arg19 : memref<128x128xf32, #tpu.memory_space<vmem>>) dst(%dma_wait3A_50 : memref<128x128xf32, #tpu.memory_space<hbm>>)
    %dma_start3A_51 = arith.constant 384 : i32
    %dma_start3A_52 = tpu.memref_slice %arg15[%dma_start3A_51] : memref<512xi32, #tpu.memory_space<vmem>> -> memref<128xi32, #tpu.memory_space<vmem>>
    %dma_start3A_53 = arith.constant 0 : i32
    %dma_start3A_54 = arith.constant 0 : i32
    %dma_start3A_55 = tpu.memref_slice %arg5[%dma_start3A_53, %dma_start3A_54] : memref<125440x128xf32, #tpu.memory_space<hbm>> -> memref<125440x128xf32, #tpu.memory_space<hbm>>
    tpu.enqueue_indirect_dma source(%dma_start3A_55 : memref<125440x128xf32, #tpu.memory_space<hbm>>) target(%arg19 : memref<128x128xf32, #tpu.memory_space<vmem>>) offsets(%dma_start3A_52 : memref<128xi32, #tpu.memory_space<vmem>>) semaphore(%arg21 : memref<!tpu.dma_semaphore, #tpu.memory_space<semaphore_mem>>)
    %add3A_56 = arith.constant 256 : i32
    %add3A_57 = arith.addi %mul3A_2, %add3A_56 : i32
    %dma_start3A_58 = arith.constant 0 : i32
    %dma_start3A_59 = tpu.memref_slice %arg9[%add3A_57, %dma_start3A_58] : memref<16384x128xf32, #tpu.memory_space<hbm>> -> memref<128x128xf32, #tpu.memory_space<hbm>>
    %dma_start3A_60 = arith.constant 0 : i32
    %dma_start3A_61 = tpu.memref_slice %arg9[%add3A_57, %dma_start3A_60] : memref<16384x128xf32, #tpu.memory_space<hbm>> -> memref<128x128xf32, #tpu.memory_space<hbm>>
    tpu.enqueue_dma source(%arg18 : memref<128x128xf32, #tpu.memory_space<vmem>>) target(%dma_start3A_61 : memref<128x128xf32, #tpu.memory_space<hbm>>) target_semaphore(%arg22 : memref<!tpu.dma_semaphore, #tpu.memory_space<semaphore_mem>>)
    %dma_wait3A_62 = arith.constant 384 : i32
    %dma_wait3A_63 = tpu.memref_slice %arg15[%dma_wait3A_62] : memref<512xi32, #tpu.memory_space<vmem>> -> memref<128xi32, #tpu.memory_space<vmem>>
    %dma_wait3A_64 = arith.constant 0 : i32
    %dma_wait3A_65 = arith.constant 0 : i32
    %dma_wait3A_66 = tpu.memref_slice %arg5[%dma_wait3A_64, %dma_wait3A_65] : memref<125440x128xf32, #tpu.memory_space<hbm>> -> memref<125440x128xf32, #tpu.memory_space<hbm>>
    tpu.wait_indirect_dma semaphore(%arg21 : memref<!tpu.dma_semaphore, #tpu.memory_space<semaphore_mem>>) src(%dma_wait3A_66 : memref<125440x128xf32, #tpu.memory_space<hbm>>) dst(%arg19 : memref<128x128xf32, #tpu.memory_space<vmem>>)
    %dma_wait3A_67 = arith.constant 0 : i32
    %dma_wait3A_68 = tpu.memref_slice %arg9[%add3A_57, %dma_wait3A_67] : memref<16384x128xf32, #tpu.memory_space<hbm>> -> memref<128x128xf32, #tpu.memory_space<hbm>>
    %dma_wait3A_69 = arith.constant 0 : i32
    %dma_wait3A_70 = tpu.memref_slice %arg9[%add3A_57, %dma_wait3A_69] : memref<16384x128xf32, #tpu.memory_space<hbm>> -> memref<128x128xf32, #tpu.memory_space<hbm>>
    tpu.wait_dma2 semaphore(%arg22 : memref<!tpu.dma_semaphore, #tpu.memory_space<semaphore_mem>>) src(%arg18 : memref<128x128xf32, #tpu.memory_space<vmem>>) dst(%dma_wait3A_70 : memref<128x128xf32, #tpu.memory_space<hbm>>)
    %dma_start3A_71 = arith.constant 0 : i32
    %dma_start3A_72 = tpu.memref_slice %arg15[%dma_start3A_71] : memref<512xi32, #tpu.memory_space<vmem>> -> memref<128xi32, #tpu.memory_space<vmem>>
    %dma_start3A_73 = arith.constant 0 : i32
    %dma_start3A_74 = arith.constant 0 : i32
    %dma_start3A_75 = tpu.memref_slice %arg7[%dma_start3A_73, %dma_start3A_74] : memref<125440x128xf32, #tpu.memory_space<hbm>> -> memref<125440x128xf32, #tpu.memory_space<hbm>>
    tpu.enqueue_indirect_dma source(%dma_start3A_75 : memref<125440x128xf32, #tpu.memory_space<hbm>>) target(%arg18 : memref<128x128xf32, #tpu.memory_space<vmem>>) offsets(%dma_start3A_72 : memref<128xi32, #tpu.memory_space<vmem>>) semaphore(%arg20 : memref<!tpu.dma_semaphore, #tpu.memory_space<semaphore_mem>>)
    %add3A_76 = arith.constant 384 : i32
    %add3A_77 = arith.addi %mul3A_2, %add3A_76 : i32
    %dma_start3A_78 = arith.constant 0 : i32
    %dma_start3A_79 = tpu.memref_slice %arg9[%add3A_77, %dma_start3A_78] : memref<16384x128xf32, #tpu.memory_space<hbm>> -> memref<128x128xf32, #tpu.memory_space<hbm>>
    %dma_start3A_80 = arith.constant 0 : i32
    %dma_start3A_81 = tpu.memref_slice %arg9[%add3A_77, %dma_start3A_80] : memref<16384x128xf32, #tpu.memory_space<hbm>> -> memref<128x128xf32, #tpu.memory_space<hbm>>
    tpu.enqueue_dma source(%arg19 : memref<128x128xf32, #tpu.memory_space<vmem>>) target(%dma_start3A_81 : memref<128x128xf32, #tpu.memory_space<hbm>>) target_semaphore(%arg23 : memref<!tpu.dma_semaphore, #tpu.memory_space<semaphore_mem>>)
    %dma_wait3A_82 = arith.constant 0 : i32
    %dma_wait3A_83 = tpu.memref_slice %arg15[%dma_wait3A_82] : memref<512xi32, #tpu.memory_space<vmem>> -> memref<128xi32, #tpu.memory_space<vmem>>
    %dma_wait3A_84 = arith.constant 0 : i32
    %dma_wait3A_85 = arith.constant 0 : i32
    %dma_wait3A_86 = tpu.memref_slice %arg7[%dma_wait3A_84, %dma_wait3A_85] : memref<125440x128xf32, #tpu.memory_space<hbm>> -> memref<125440x128xf32, #tpu.memory_space<hbm>>
    tpu.wait_indirect_dma semaphore(%arg20 : memref<!tpu.dma_semaphore, #tpu.memory_space<semaphore_mem>>) src(%dma_wait3A_86 : memref<125440x128xf32, #tpu.memory_space<hbm>>) dst(%arg18 : memref<128x128xf32, #tpu.memory_space<vmem>>)
    %dma_wait3A_87 = arith.constant 0 : i32
    %dma_wait3A_88 = tpu.memref_slice %arg9[%add3A_77, %dma_wait3A_87] : memref<16384x128xf32, #tpu.memory_space<hbm>> -> memref<128x128xf32, #tpu.memory_space<hbm>>
    %dma_wait3A_89 = arith.constant 0 : i32
    %dma_wait3A_90 = tpu.memref_slice %arg9[%add3A_77, %dma_wait3A_89] : memref<16384x128xf32, #tpu.memory_space<hbm>> -> memref<128x128xf32, #tpu.memory_space<hbm>>
    tpu.wait_dma2 semaphore(%arg23 : memref<!tpu.dma_semaphore, #tpu.memory_space<semaphore_mem>>) src(%arg19 : memref<128x128xf32, #tpu.memory_space<vmem>>) dst(%dma_wait3A_90 : memref<128x128xf32, #tpu.memory_space<hbm>>)
    %dma_start3A_91 = arith.constant 128 : i32
    %dma_start3A_92 = tpu.memref_slice %arg15[%dma_start3A_91] : memref<512xi32, #tpu.memory_space<vmem>> -> memref<128xi32, #tpu.memory_space<vmem>>
    %dma_start3A_93 = arith.constant 0 : i32
    %dma_start3A_94 = arith.constant 0 : i32
    %dma_start3A_95 = tpu.memref_slice %arg7[%dma_start3A_93, %dma_start3A_94] : memref<125440x128xf32, #tpu.memory_space<hbm>> -> memref<125440x128xf32, #tpu.memory_space<hbm>>
    tpu.enqueue_indirect_dma source(%dma_start3A_95 : memref<125440x128xf32, #tpu.memory_space<hbm>>) target(%arg19 : memref<128x128xf32, #tpu.memory_space<vmem>>) offsets(%dma_start3A_92 : memref<128xi32, #tpu.memory_space<vmem>>) semaphore(%arg21 : memref<!tpu.dma_semaphore, #tpu.memory_space<semaphore_mem>>)
    %add3A_96 = arith.constant 0 : i32
    %add3A_97 = arith.addi %mul3A_2, %add3A_96 : i32
    %dma_start3A_98 = arith.constant 0 : i32
    %dma_start3A_99 = tpu.memref_slice %arg12[%add3A_97, %dma_start3A_98] : memref<16384x128xf32, #tpu.memory_space<hbm>> -> memref<128x128xf32, #tpu.memory_space<hbm>>
    %dma_start3A_100 = arith.constant 0 : i32
    %dma_start3A_101 = tpu.memref_slice %arg12[%add3A_97, %dma_start3A_100] : memref<16384x128xf32, #tpu.memory_space<hbm>> -> memref<128x128xf32, #tpu.memory_space<hbm>>
    tpu.enqueue_dma source(%arg18 : memref<128x128xf32, #tpu.memory_space<vmem>>) target(%dma_start3A_101 : memref<128x128xf32, #tpu.memory_space<hbm>>) target_semaphore(%arg22 : memref<!tpu.dma_semaphore, #tpu.memory_space<semaphore_mem>>)
    %dma_wait3A_102 = arith.constant 128 : i32
    %dma_wait3A_103 = tpu.memref_slice %arg15[%dma_wait3A_102] : memref<512xi32, #tpu.memory_space<vmem>> -> memref<128xi32, #tpu.memory_space<vmem>>
    %dma_wait3A_104 = arith.constant 0 : i32
    %dma_wait3A_105 = arith.constant 0 : i32
    %dma_wait3A_106 = tpu.memref_slice %arg7[%dma_wait3A_104, %dma_wait3A_105] : memref<125440x128xf32, #tpu.memory_space<hbm>> -> memref<125440x128xf32, #tpu.memory_space<hbm>>
    tpu.wait_indirect_dma semaphore(%arg21 : memref<!tpu.dma_semaphore, #tpu.memory_space<semaphore_mem>>) src(%dma_wait3A_106 : memref<125440x128xf32, #tpu.memory_space<hbm>>) dst(%arg19 : memref<128x128xf32, #tpu.memory_space<vmem>>)
    %dma_wait3A_107 = arith.constant 0 : i32
    %dma_wait3A_108 = tpu.memref_slice %arg12[%add3A_97, %dma_wait3A_107] : memref<16384x128xf32, #tpu.memory_space<hbm>> -> memref<128x128xf32, #tpu.memory_space<hbm>>
    %dma_wait3A_109 = arith.constant 0 : i32
    %dma_wait3A_110 = tpu.memref_slice %arg12[%add3A_97, %dma_wait3A_109] : memref<16384x128xf32, #tpu.memory_space<hbm>> -> memref<128x128xf32, #tpu.memory_space<hbm>>
    tpu.wait_dma2 semaphore(%arg22 : memref<!tpu.dma_semaphore, #tpu.memory_space<semaphore_mem>>) src(%arg18 : memref<128x128xf32, #tpu.memory_space<vmem>>) dst(%dma_wait3A_110 : memref<128x128xf32, #tpu.memory_space<hbm>>)
    %dma_start3A_111 = arith.constant 256 : i32
    %dma_start3A_112 = tpu.memref_slice %arg15[%dma_start3A_111] : memref<512xi32, #tpu.memory_space<vmem>> -> memref<128xi32, #tpu.memory_space<vmem>>
    %dma_start3A_113 = arith.constant 0 : i32
    %dma_start3A_114 = arith.constant 0 : i32
    %dma_start3A_115 = tpu.memref_slice %arg7[%dma_start3A_113, %dma_start3A_114] : memref<125440x128xf32, #tpu.memory_space<hbm>> -> memref<125440x128xf32, #tpu.memory_space<hbm>>
    tpu.enqueue_indirect_dma source(%dma_start3A_115 : memref<125440x128xf32, #tpu.memory_space<hbm>>) target(%arg18 : memref<128x128xf32, #tpu.memory_space<vmem>>) offsets(%dma_start3A_112 : memref<128xi32, #tpu.memory_space<vmem>>) semaphore(%arg20 : memref<!tpu.dma_semaphore, #tpu.memory_space<semaphore_mem>>)
    %add3A_116 = arith.constant 128 : i32
    %add3A_117 = arith.addi %mul3A_2, %add3A_116 : i32
    %dma_start3A_118 = arith.constant 0 : i32
    %dma_start3A_119 = tpu.memref_slice %arg12[%add3A_117, %dma_start3A_118] : memref<16384x128xf32, #tpu.memory_space<hbm>> -> memref<128x128xf32, #tpu.memory_space<hbm>>
    %dma_start3A_120 = arith.constant 0 : i32
    %dma_start3A_121 = tpu.memref_slice %arg12[%add3A_117, %dma_start3A_120] : memref<16384x128xf32, #tpu.memory_space<hbm>> -> memref<128x128xf32, #tpu.memory_space<hbm>>
    tpu.enqueue_dma source(%arg19 : memref<128x128xf32, #tpu.memory_space<vmem>>) target(%dma_start3A_121 : memref<128x128xf32, #tpu.memory_space<hbm>>) target_semaphore(%arg23 : memref<!tpu.dma_semaphore, #tpu.memory_space<semaphore_mem>>)
    %dma_wait3A_122 = arith.constant 256 : i32
    %dma_wait3A_123 = tpu.memref_slice %arg15[%dma_wait3A_122] : memref<512xi32, #tpu.memory_space<vmem>> -> memref<128xi32, #tpu.memory_space<vmem>>
    %dma_wait3A_124 = arith.constant 0 : i32
    %dma_wait3A_125 = arith.constant 0 : i32
    %dma_wait3A_126 = tpu.memref_slice %arg7[%dma_wait3A_124, %dma_wait3A_125] : memref<125440x128xf32, #tpu.memory_space<hbm>> -> memref<125440x128xf32, #tpu.memory_space<hbm>>
    tpu.wait_indirect_dma semaphore(%arg20 : memref<!tpu.dma_semaphore, #tpu.memory_space<semaphore_mem>>) src(%dma_wait3A_126 : memref<125440x128xf32, #tpu.memory_space<hbm>>) dst(%arg18 : memref<128x128xf32, #tpu.memory_space<vmem>>)
    %dma_wait3A_127 = arith.constant 0 : i32
    %dma_wait3A_128 = tpu.memref_slice %arg12[%add3A_117, %dma_wait3A_127] : memref<16384x128xf32, #tpu.memory_space<hbm>> -> memref<128x128xf32, #tpu.memory_space<hbm>>
    %dma_wait3A_129 = arith.constant 0 : i32
    %dma_wait3A_130 = tpu.memref_slice %arg12[%add3A_117, %dma_wait3A_129] : memref<16384x128xf32, #tpu.memory_space<hbm>> -> memref<128x128xf32, #tpu.memory_space<hbm>>
    tpu.wait_dma2 semaphore(%arg23 : memref<!tpu.dma_semaphore, #tpu.memory_space<semaphore_mem>>) src(%arg19 : memref<128x128xf32, #tpu.memory_space<vmem>>) dst(%dma_wait3A_130 : memref<128x128xf32, #tpu.memory_space<hbm>>)
    %dma_start3A_131 = arith.constant 384 : i32
    %dma_start3A_132 = tpu.memref_slice %arg15[%dma_start3A_131] : memref<512xi32, #tpu.memory_space<vmem>> -> memref<128xi32, #tpu.memory_space<vmem>>
    %dma_start3A_133 = arith.constant 0 : i32
    %dma_start3A_134 = arith.constant 0 : i32
    %dma_start3A_135 = tpu.memref_slice %arg7[%dma_start3A_133, %dma_start3A_134] : memref<125440x128xf32, #tpu.memory_space<hbm>> -> memref<125440x128xf32, #tpu.memory_space<hbm>>
    tpu.enqueue_indirect_dma source(%dma_start3A_135 : memref<125440x128xf32, #tpu.memory_space<hbm>>) target(%arg19 : memref<128x128xf32, #tpu.memory_space<vmem>>) offsets(%dma_start3A_132 : memref<128xi32, #tpu.memory_space<vmem>>) semaphore(%arg21 : memref<!tpu.dma_semaphore, #tpu.memory_space<semaphore_mem>>)
    %add3A_136 = arith.constant 256 : i32
    %add3A_137 = arith.addi %mul3A_2, %add3A_136 : i32
    %dma_start3A_138 = arith.constant 0 : i32
    %dma_start3A_139 = tpu.memref_slice %arg12[%add3A_137, %dma_start3A_138] : memref<16384x128xf32, #tpu.memory_space<hbm>> -> memref<128x128xf32, #tpu.memory_space<hbm>>
    %dma_start3A_140 = arith.constant 0 : i32
    %dma_start3A_141 = tpu.memref_slice %arg12[%add3A_137, %dma_start3A_140] : memref<16384x128xf32, #tpu.memory_space<hbm>> -> memref<128x128xf32, #tpu.memory_space<hbm>>
    tpu.enqueue_dma source(%arg18 : memref<128x128xf32, #tpu.memory_space<vmem>>) target(%dma_start3A_141 : memref<128x128xf32, #tpu.memory_space<hbm>>) target_semaphore(%arg22 : memref<!tpu.dma_semaphore, #tpu.memory_space<semaphore_mem>>)
    %dma_wait3A_142 = arith.constant 384 : i32
    %dma_wait3A_143 = tpu.memref_slice %arg15[%dma_wait3A_142] : memref<512xi32, #tpu.memory_space<vmem>> -> memref<128xi32, #tpu.memory_space<vmem>>
    %dma_wait3A_144 = arith.constant 0 : i32
    %dma_wait3A_145 = arith.constant 0 : i32
    %dma_wait3A_146 = tpu.memref_slice %arg7[%dma_wait3A_144, %dma_wait3A_145] : memref<125440x128xf32, #tpu.memory_space<hbm>> -> memref<125440x128xf32, #tpu.memory_space<hbm>>
    tpu.wait_indirect_dma semaphore(%arg21 : memref<!tpu.dma_semaphore, #tpu.memory_space<semaphore_mem>>) src(%dma_wait3A_146 : memref<125440x128xf32, #tpu.memory_space<hbm>>) dst(%arg19 : memref<128x128xf32, #tpu.memory_space<vmem>>)
    %dma_wait3A_147 = arith.constant 0 : i32
    %dma_wait3A_148 = tpu.memref_slice %arg12[%add3A_137, %dma_wait3A_147] : memref<16384x128xf32, #tpu.memory_space<hbm>> -> memref<128x128xf32, #tpu.memory_space<hbm>>
    %dma_wait3A_149 = arith.constant 0 : i32
    %dma_wait3A_150 = tpu.memref_slice %arg12[%add3A_137, %dma_wait3A_149] : memref<16384x128xf32, #tpu.memory_space<hbm>> -> memref<128x128xf32, #tpu.memory_space<hbm>>
    tpu.wait_dma2 semaphore(%arg22 : memref<!tpu.dma_semaphore, #tpu.memory_space<semaphore_mem>>) src(%arg18 : memref<128x128xf32, #tpu.memory_space<vmem>>) dst(%dma_wait3A_150 : memref<128x128xf32, #tpu.memory_space<hbm>>)
    %dma_start3A_151 = arith.constant 0 : i32
    %dma_start3A_152 = tpu.memref_slice %arg16[%dma_start3A_151] : memref<512xi32, #tpu.memory_space<vmem>> -> memref<128xi32, #tpu.memory_space<vmem>>
    %dma_start3A_153 = arith.constant 0 : i32
    %dma_start3A_154 = arith.constant 0 : i32
    %dma_start3A_155 = tpu.memref_slice %arg6[%dma_start3A_153, %dma_start3A_154] : memref<125440x128xf32, #tpu.memory_space<hbm>> -> memref<125440x128xf32, #tpu.memory_space<hbm>>
    tpu.enqueue_indirect_dma source(%dma_start3A_155 : memref<125440x128xf32, #tpu.memory_space<hbm>>) target(%arg18 : memref<128x128xf32, #tpu.memory_space<vmem>>) offsets(%dma_start3A_152 : memref<128xi32, #tpu.memory_space<vmem>>) semaphore(%arg20 : memref<!tpu.dma_semaphore, #tpu.memory_space<semaphore_mem>>)
    %add3A_156 = arith.constant 384 : i32
    %add3A_157 = arith.addi %mul3A_2, %add3A_156 : i32
    %dma_start3A_158 = arith.constant 0 : i32
    %dma_start3A_159 = tpu.memref_slice %arg12[%add3A_157, %dma_start3A_158] : memref<16384x128xf32, #tpu.memory_space<hbm>> -> memref<128x128xf32, #tpu.memory_space<hbm>>
    %dma_start3A_160 = arith.constant 0 : i32
    %dma_start3A_161 = tpu.memref_slice %arg12[%add3A_157, %dma_start3A_160] : memref<16384x128xf32, #tpu.memory_space<hbm>> -> memref<128x128xf32, #tpu.memory_space<hbm>>
    tpu.enqueue_dma source(%arg19 : memref<128x128xf32, #tpu.memory_space<vmem>>) target(%dma_start3A_161 : memref<128x128xf32, #tpu.memory_space<hbm>>) target_semaphore(%arg23 : memref<!tpu.dma_semaphore, #tpu.memory_space<semaphore_mem>>)
    %dma_wait3A_162 = arith.constant 0 : i32
    %dma_wait3A_163 = tpu.memref_slice %arg16[%dma_wait3A_162] : memref<512xi32, #tpu.memory_space<vmem>> -> memref<128xi32, #tpu.memory_space<vmem>>
    %dma_wait3A_164 = arith.constant 0 : i32
    %dma_wait3A_165 = arith.constant 0 : i32
    %dma_wait3A_166 = tpu.memref_slice %arg6[%dma_wait3A_164, %dma_wait3A_165] : memref<125440x128xf32, #tpu.memory_space<hbm>> -> memref<125440x128xf32, #tpu.memory_space<hbm>>
    tpu.wait_indirect_dma semaphore(%arg20 : memref<!tpu.dma_semaphore, #tpu.memory_space<semaphore_mem>>) src(%dma_wait3A_166 : memref<125440x128xf32, #tpu.memory_space<hbm>>) dst(%arg18 : memref<128x128xf32, #tpu.memory_space<vmem>>)
    %dma_wait3A_167 = arith.constant 0 : i32
    %dma_wait3A_168 = tpu.memref_slice %arg12[%add3A_157, %dma_wait3A_167] : memref<16384x128xf32, #tpu.memory_space<hbm>> -> memref<128x128xf32, #tpu.memory_space<hbm>>
    %dma_wait3A_169 = arith.constant 0 : i32
    %dma_wait3A_170 = tpu.memref_slice %arg12[%add3A_157, %dma_wait3A_169] : memref<16384x128xf32, #tpu.memory_space<hbm>> -> memref<128x128xf32, #tpu.memory_space<hbm>>
    tpu.wait_dma2 semaphore(%arg23 : memref<!tpu.dma_semaphore, #tpu.memory_space<semaphore_mem>>) src(%arg19 : memref<128x128xf32, #tpu.memory_space<vmem>>) dst(%dma_wait3A_170 : memref<128x128xf32, #tpu.memory_space<hbm>>)
    %dma_start3A_171 = arith.constant 128 : i32
    %dma_start3A_172 = tpu.memref_slice %arg16[%dma_start3A_171] : memref<512xi32, #tpu.memory_space<vmem>> -> memref<128xi32, #tpu.memory_space<vmem>>
    %dma_start3A_173 = arith.constant 0 : i32
    %dma_start3A_174 = arith.constant 0 : i32
    %dma_start3A_175 = tpu.memref_slice %arg6[%dma_start3A_173, %dma_start3A_174] : memref<125440x128xf32, #tpu.memory_space<hbm>> -> memref<125440x128xf32, #tpu.memory_space<hbm>>
    tpu.enqueue_indirect_dma source(%dma_start3A_175 : memref<125440x128xf32, #tpu.memory_space<hbm>>) target(%arg19 : memref<128x128xf32, #tpu.memory_space<vmem>>) offsets(%dma_start3A_172 : memref<128xi32, #tpu.memory_space<vmem>>) semaphore(%arg21 : memref<!tpu.dma_semaphore, #tpu.memory_space<semaphore_mem>>)
    %add3A_176 = arith.constant 0 : i32
    %add3A_177 = arith.addi %mul3A_2, %add3A_176 : i32
    %dma_start3A_178 = arith.constant 0 : i32
    %dma_start3A_179 = tpu.memref_slice %arg10[%add3A_177, %dma_start3A_178] : memref<16384x128xf32, #tpu.memory_space<hbm>> -> memref<128x128xf32, #tpu.memory_space<hbm>>
    %dma_start3A_180 = arith.constant 0 : i32
    %dma_start3A_181 = tpu.memref_slice %arg10[%add3A_177, %dma_start3A_180] : memref<16384x128xf32, #tpu.memory_space<hbm>> -> memref<128x128xf32, #tpu.memory_space<hbm>>
    tpu.enqueue_dma source(%arg18 : memref<128x128xf32, #tpu.memory_space<vmem>>) target(%dma_start3A_181 : memref<128x128xf32, #tpu.memory_space<hbm>>) target_semaphore(%arg22 : memref<!tpu.dma_semaphore, #tpu.memory_space<semaphore_mem>>)
    %dma_wait3A_182 = arith.constant 128 : i32
    %dma_wait3A_183 = tpu.memref_slice %arg16[%dma_wait3A_182] : memref<512xi32, #tpu.memory_space<vmem>> -> memref<128xi32, #tpu.memory_space<vmem>>
    %dma_wait3A_184 = arith.constant 0 : i32
    %dma_wait3A_185 = arith.constant 0 : i32
    %dma_wait3A_186 = tpu.memref_slice %arg6[%dma_wait3A_184, %dma_wait3A_185] : memref<125440x128xf32, #tpu.memory_space<hbm>> -> memref<125440x128xf32, #tpu.memory_space<hbm>>
    tpu.wait_indirect_dma semaphore(%arg21 : memref<!tpu.dma_semaphore, #tpu.memory_space<semaphore_mem>>) src(%dma_wait3A_186 : memref<125440x128xf32, #tpu.memory_space<hbm>>) dst(%arg19 : memref<128x128xf32, #tpu.memory_space<vmem>>)
    %dma_wait3A_187 = arith.constant 0 : i32
    %dma_wait3A_188 = tpu.memref_slice %arg10[%add3A_177, %dma_wait3A_187] : memref<16384x128xf32, #tpu.memory_space<hbm>> -> memref<128x128xf32, #tpu.memory_space<hbm>>
    %dma_wait3A_189 = arith.constant 0 : i32
    %dma_wait3A_190 = tpu.memref_slice %arg10[%add3A_177, %dma_wait3A_189] : memref<16384x128xf32, #tpu.memory_space<hbm>> -> memref<128x128xf32, #tpu.memory_space<hbm>>
    tpu.wait_dma2 semaphore(%arg22 : memref<!tpu.dma_semaphore, #tpu.memory_space<semaphore_mem>>) src(%arg18 : memref<128x128xf32, #tpu.memory_space<vmem>>) dst(%dma_wait3A_190 : memref<128x128xf32, #tpu.memory_space<hbm>>)
    %dma_start3A_191 = arith.constant 256 : i32
    %dma_start3A_192 = tpu.memref_slice %arg16[%dma_start3A_191] : memref<512xi32, #tpu.memory_space<vmem>> -> memref<128xi32, #tpu.memory_space<vmem>>
    %dma_start3A_193 = arith.constant 0 : i32
    %dma_start3A_194 = arith.constant 0 : i32
    %dma_start3A_195 = tpu.memref_slice %arg6[%dma_start3A_193, %dma_start3A_194] : memref<125440x128xf32, #tpu.memory_space<hbm>> -> memref<125440x128xf32, #tpu.memory_space<hbm>>
    tpu.enqueue_indirect_dma source(%dma_start3A_195 : memref<125440x128xf32, #tpu.memory_space<hbm>>) target(%arg18 : memref<128x128xf32, #tpu.memory_space<vmem>>) offsets(%dma_start3A_192 : memref<128xi32, #tpu.memory_space<vmem>>) semaphore(%arg20 : memref<!tpu.dma_semaphore, #tpu.memory_space<semaphore_mem>>)
    %add3A_196 = arith.constant 128 : i32
    %add3A_197 = arith.addi %mul3A_2, %add3A_196 : i32
    %dma_start3A_198 = arith.constant 0 : i32
    %dma_start3A_199 = tpu.memref_slice %arg10[%add3A_197, %dma_start3A_198] : memref<16384x128xf32, #tpu.memory_space<hbm>> -> memref<128x128xf32, #tpu.memory_space<hbm>>
    %dma_start3A_200 = arith.constant 0 : i32
    %dma_start3A_201 = tpu.memref_slice %arg10[%add3A_197, %dma_start3A_200] : memref<16384x128xf32, #tpu.memory_space<hbm>> -> memref<128x128xf32, #tpu.memory_space<hbm>>
    tpu.enqueue_dma source(%arg19 : memref<128x128xf32, #tpu.memory_space<vmem>>) target(%dma_start3A_201 : memref<128x128xf32, #tpu.memory_space<hbm>>) target_semaphore(%arg23 : memref<!tpu.dma_semaphore, #tpu.memory_space<semaphore_mem>>)
    %dma_wait3A_202 = arith.constant 256 : i32
    %dma_wait3A_203 = tpu.memref_slice %arg16[%dma_wait3A_202] : memref<512xi32, #tpu.memory_space<vmem>> -> memref<128xi32, #tpu.memory_space<vmem>>
    %dma_wait3A_204 = arith.constant 0 : i32
    %dma_wait3A_205 = arith.constant 0 : i32
    %dma_wait3A_206 = tpu.memref_slice %arg6[%dma_wait3A_204, %dma_wait3A_205] : memref<125440x128xf32, #tpu.memory_space<hbm>> -> memref<125440x128xf32, #tpu.memory_space<hbm>>
    tpu.wait_indirect_dma semaphore(%arg20 : memref<!tpu.dma_semaphore, #tpu.memory_space<semaphore_mem>>) src(%dma_wait3A_206 : memref<125440x128xf32, #tpu.memory_space<hbm>>) dst(%arg18 : memref<128x128xf32, #tpu.memory_space<vmem>>)
    %dma_wait3A_207 = arith.constant 0 : i32
    %dma_wait3A_208 = tpu.memref_slice %arg10[%add3A_197, %dma_wait3A_207] : memref<16384x128xf32, #tpu.memory_space<hbm>> -> memref<128x128xf32, #tpu.memory_space<hbm>>
    %dma_wait3A_209 = arith.constant 0 : i32
    %dma_wait3A_210 = tpu.memref_slice %arg10[%add3A_197, %dma_wait3A_209] : memref<16384x128xf32, #tpu.memory_space<hbm>> -> memref<128x128xf32, #tpu.memory_space<hbm>>
    tpu.wait_dma2 semaphore(%arg23 : memref<!tpu.dma_semaphore, #tpu.memory_space<semaphore_mem>>) src(%arg19 : memref<128x128xf32, #tpu.memory_space<vmem>>) dst(%dma_wait3A_210 : memref<128x128xf32, #tpu.memory_space<hbm>>)
    %dma_start3A_211 = arith.constant 384 : i32
    %dma_start3A_212 = tpu.memref_slice %arg16[%dma_start3A_211] : memref<512xi32, #tpu.memory_space<vmem>> -> memref<128xi32, #tpu.memory_space<vmem>>
    %dma_start3A_213 = arith.constant 0 : i32
    %dma_start3A_214 = arith.constant 0 : i32
    %dma_start3A_215 = tpu.memref_slice %arg6[%dma_start3A_213, %dma_start3A_214] : memref<125440x128xf32, #tpu.memory_space<hbm>> -> memref<125440x128xf32, #tpu.memory_space<hbm>>
    tpu.enqueue_indirect_dma source(%dma_start3A_215 : memref<125440x128xf32, #tpu.memory_space<hbm>>) target(%arg19 : memref<128x128xf32, #tpu.memory_space<vmem>>) offsets(%dma_start3A_212 : memref<128xi32, #tpu.memory_space<vmem>>) semaphore(%arg21 : memref<!tpu.dma_semaphore, #tpu.memory_space<semaphore_mem>>)
    %add3A_216 = arith.constant 256 : i32
    %add3A_217 = arith.addi %mul3A_2, %add3A_216 : i32
    %dma_start3A_218 = arith.constant 0 : i32
    %dma_start3A_219 = tpu.memref_slice %arg10[%add3A_217, %dma_start3A_218] : memref<16384x128xf32, #tpu.memory_space<hbm>> -> memref<128x128xf32, #tpu.memory_space<hbm>>
    %dma_start3A_220 = arith.constant 0 : i32
    %dma_start3A_221 = tpu.memref_slice %arg10[%add3A_217, %dma_start3A_220] : memref<16384x128xf32, #tpu.memory_space<hbm>> -> memref<128x128xf32, #tpu.memory_space<hbm>>
    tpu.enqueue_dma source(%arg18 : memref<128x128xf32, #tpu.memory_space<vmem>>) target(%dma_start3A_221 : memref<128x128xf32, #tpu.memory_space<hbm>>) target_semaphore(%arg22 : memref<!tpu.dma_semaphore, #tpu.memory_space<semaphore_mem>>)
    %dma_wait3A_222 = arith.constant 384 : i32
    %dma_wait3A_223 = tpu.memref_slice %arg16[%dma_wait3A_222] : memref<512xi32, #tpu.memory_space<vmem>> -> memref<128xi32, #tpu.memory_space<vmem>>
    %dma_wait3A_224 = arith.constant 0 : i32
    %dma_wait3A_225 = arith.constant 0 : i32
    %dma_wait3A_226 = tpu.memref_slice %arg6[%dma_wait3A_224, %dma_wait3A_225] : memref<125440x128xf32, #tpu.memory_space<hbm>> -> memref<125440x128xf32, #tpu.memory_space<hbm>>
    tpu.wait_indirect_dma semaphore(%arg21 : memref<!tpu.dma_semaphore, #tpu.memory_space<semaphore_mem>>) src(%dma_wait3A_226 : memref<125440x128xf32, #tpu.memory_space<hbm>>) dst(%arg19 : memref<128x128xf32, #tpu.memory_space<vmem>>)
    %dma_wait3A_227 = arith.constant 0 : i32
    %dma_wait3A_228 = tpu.memref_slice %arg10[%add3A_217, %dma_wait3A_227] : memref<16384x128xf32, #tpu.memory_space<hbm>> -> memref<128x128xf32, #tpu.memory_space<hbm>>
    %dma_wait3A_229 = arith.constant 0 : i32
    %dma_wait3A_230 = tpu.memref_slice %arg10[%add3A_217, %dma_wait3A_229] : memref<16384x128xf32, #tpu.memory_space<hbm>> -> memref<128x128xf32, #tpu.memory_space<hbm>>
    tpu.wait_dma2 semaphore(%arg22 : memref<!tpu.dma_semaphore, #tpu.memory_space<semaphore_mem>>) src(%arg18 : memref<128x128xf32, #tpu.memory_space<vmem>>) dst(%dma_wait3A_230 : memref<128x128xf32, #tpu.memory_space<hbm>>)
    %dma_start3A_231 = arith.constant 0 : i32
    %dma_start3A_232 = tpu.memref_slice %arg16[%dma_start3A_231] : memref<512xi32, #tpu.memory_space<vmem>> -> memref<128xi32, #tpu.memory_space<vmem>>
    %dma_start3A_233 = arith.constant 0 : i32
    %dma_start3A_234 = arith.constant 0 : i32
    %dma_start3A_235 = tpu.memref_slice %arg8[%dma_start3A_233, %dma_start3A_234] : memref<125440x128xf32, #tpu.memory_space<hbm>> -> memref<125440x128xf32, #tpu.memory_space<hbm>>
    tpu.enqueue_indirect_dma source(%dma_start3A_235 : memref<125440x128xf32, #tpu.memory_space<hbm>>) target(%arg18 : memref<128x128xf32, #tpu.memory_space<vmem>>) offsets(%dma_start3A_232 : memref<128xi32, #tpu.memory_space<vmem>>) semaphore(%arg20 : memref<!tpu.dma_semaphore, #tpu.memory_space<semaphore_mem>>)
    %add3A_236 = arith.constant 384 : i32
    %add3A_237 = arith.addi %mul3A_2, %add3A_236 : i32
    %dma_start3A_238 = arith.constant 0 : i32
    %dma_start3A_239 = tpu.memref_slice %arg10[%add3A_237, %dma_start3A_238] : memref<16384x128xf32, #tpu.memory_space<hbm>> -> memref<128x128xf32, #tpu.memory_space<hbm>>
    %dma_start3A_240 = arith.constant 0 : i32
    %dma_start3A_241 = tpu.memref_slice %arg10[%add3A_237, %dma_start3A_240] : memref<16384x128xf32, #tpu.memory_space<hbm>> -> memref<128x128xf32, #tpu.memory_space<hbm>>
    tpu.enqueue_dma source(%arg19 : memref<128x128xf32, #tpu.memory_space<vmem>>) target(%dma_start3A_241 : memref<128x128xf32, #tpu.memory_space<hbm>>) target_semaphore(%arg23 : memref<!tpu.dma_semaphore, #tpu.memory_space<semaphore_mem>>)
    %dma_wait3A_242 = arith.constant 0 : i32
    %dma_wait3A_243 = tpu.memref_slice %arg16[%dma_wait3A_242] : memref<512xi32, #tpu.memory_space<vmem>> -> memref<128xi32, #tpu.memory_space<vmem>>
    %dma_wait3A_244 = arith.constant 0 : i32
    %dma_wait3A_245 = arith.constant 0 : i32
    %dma_wait3A_246 = tpu.memref_slice %arg8[%dma_wait3A_244, %dma_wait3A_245] : memref<125440x128xf32, #tpu.memory_space<hbm>> -> memref<125440x128xf32, #tpu.memory_space<hbm>>
    tpu.wait_indirect_dma semaphore(%arg20 : memref<!tpu.dma_semaphore, #tpu.memory_space<semaphore_mem>>) src(%dma_wait3A_246 : memref<125440x128xf32, #tpu.memory_space<hbm>>) dst(%arg18 : memref<128x128xf32, #tpu.memory_space<vmem>>)
    %dma_wait3A_247 = arith.constant 0 : i32
    %dma_wait3A_248 = tpu.memref_slice %arg10[%add3A_237, %dma_wait3A_247] : memref<16384x128xf32, #tpu.memory_space<hbm>> -> memref<128x128xf32, #tpu.memory_space<hbm>>
    %dma_wait3A_249 = arith.constant 0 : i32
    %dma_wait3A_250 = tpu.memref_slice %arg10[%add3A_237, %dma_wait3A_249] : memref<16384x128xf32, #tpu.memory_space<hbm>> -> memref<128x128xf32, #tpu.memory_space<hbm>>
    tpu.wait_dma2 semaphore(%arg23 : memref<!tpu.dma_semaphore, #tpu.memory_space<semaphore_mem>>) src(%arg19 : memref<128x128xf32, #tpu.memory_space<vmem>>) dst(%dma_wait3A_250 : memref<128x128xf32, #tpu.memory_space<hbm>>)
    %dma_start3A_251 = arith.constant 128 : i32
    %dma_start3A_252 = tpu.memref_slice %arg16[%dma_start3A_251] : memref<512xi32, #tpu.memory_space<vmem>> -> memref<128xi32, #tpu.memory_space<vmem>>
    %dma_start3A_253 = arith.constant 0 : i32
    %dma_start3A_254 = arith.constant 0 : i32
    %dma_start3A_255 = tpu.memref_slice %arg8[%dma_start3A_253, %dma_start3A_254] : memref<125440x128xf32, #tpu.memory_space<hbm>> -> memref<125440x128xf32, #tpu.memory_space<hbm>>
    tpu.enqueue_indirect_dma source(%dma_start3A_255 : memref<125440x128xf32, #tpu.memory_space<hbm>>) target(%arg19 : memref<128x128xf32, #tpu.memory_space<vmem>>) offsets(%dma_start3A_252 : memref<128xi32, #tpu.memory_space<vmem>>) semaphore(%arg21 : memref<!tpu.dma_semaphore, #tpu.memory_space<semaphore_mem>>)
    %add3A_256 = arith.constant 0 : i32
    %add3A_257 = arith.addi %mul3A_2, %add3A_256 : i32
    %dma_start3A_258 = arith.constant 0 : i32
    %dma_start3A_259 = tpu.memref_slice %arg13[%add3A_257, %dma_start3A_258] : memref<16384x128xf32, #tpu.memory_space<hbm>> -> memref<128x128xf32, #tpu.memory_space<hbm>>
    %dma_start3A_260 = arith.constant 0 : i32
    %dma_start3A_261 = tpu.memref_slice %arg13[%add3A_257, %dma_start3A_260] : memref<16384x128xf32, #tpu.memory_space<hbm>> -> memref<128x128xf32, #tpu.memory_space<hbm>>
    tpu.enqueue_dma source(%arg18 : memref<128x128xf32, #tpu.memory_space<vmem>>) target(%dma_start3A_261 : memref<128x128xf32, #tpu.memory_space<hbm>>) target_semaphore(%arg22 : memref<!tpu.dma_semaphore, #tpu.memory_space<semaphore_mem>>)
    %dma_wait3A_262 = arith.constant 128 : i32
    %dma_wait3A_263 = tpu.memref_slice %arg16[%dma_wait3A_262] : memref<512xi32, #tpu.memory_space<vmem>> -> memref<128xi32, #tpu.memory_space<vmem>>
    %dma_wait3A_264 = arith.constant 0 : i32
    %dma_wait3A_265 = arith.constant 0 : i32
    %dma_wait3A_266 = tpu.memref_slice %arg8[%dma_wait3A_264, %dma_wait3A_265] : memref<125440x128xf32, #tpu.memory_space<hbm>> -> memref<125440x128xf32, #tpu.memory_space<hbm>>
    tpu.wait_indirect_dma semaphore(%arg21 : memref<!tpu.dma_semaphore, #tpu.memory_space<semaphore_mem>>) src(%dma_wait3A_266 : memref<125440x128xf32, #tpu.memory_space<hbm>>) dst(%arg19 : memref<128x128xf32, #tpu.memory_space<vmem>>)
    %dma_wait3A_267 = arith.constant 0 : i32
    %dma_wait3A_268 = tpu.memref_slice %arg13[%add3A_257, %dma_wait3A_267] : memref<16384x128xf32, #tpu.memory_space<hbm>> -> memref<128x128xf32, #tpu.memory_space<hbm>>
    %dma_wait3A_269 = arith.constant 0 : i32
    %dma_wait3A_270 = tpu.memref_slice %arg13[%add3A_257, %dma_wait3A_269] : memref<16384x128xf32, #tpu.memory_space<hbm>> -> memref<128x128xf32, #tpu.memory_space<hbm>>
    tpu.wait_dma2 semaphore(%arg22 : memref<!tpu.dma_semaphore, #tpu.memory_space<semaphore_mem>>) src(%arg18 : memref<128x128xf32, #tpu.memory_space<vmem>>) dst(%dma_wait3A_270 : memref<128x128xf32, #tpu.memory_space<hbm>>)
    %dma_start3A_271 = arith.constant 256 : i32
    %dma_start3A_272 = tpu.memref_slice %arg16[%dma_start3A_271] : memref<512xi32, #tpu.memory_space<vmem>> -> memref<128xi32, #tpu.memory_space<vmem>>
    %dma_start3A_273 = arith.constant 0 : i32
    %dma_start3A_274 = arith.constant 0 : i32
    %dma_start3A_275 = tpu.memref_slice %arg8[%dma_start3A_273, %dma_start3A_274] : memref<125440x128xf32, #tpu.memory_space<hbm>> -> memref<125440x128xf32, #tpu.memory_space<hbm>>
    tpu.enqueue_indirect_dma source(%dma_start3A_275 : memref<125440x128xf32, #tpu.memory_space<hbm>>) target(%arg18 : memref<128x128xf32, #tpu.memory_space<vmem>>) offsets(%dma_start3A_272 : memref<128xi32, #tpu.memory_space<vmem>>) semaphore(%arg20 : memref<!tpu.dma_semaphore, #tpu.memory_space<semaphore_mem>>)
    %add3A_276 = arith.constant 128 : i32
    %add3A_277 = arith.addi %mul3A_2, %add3A_276 : i32
    %dma_start3A_278 = arith.constant 0 : i32
    %dma_start3A_279 = tpu.memref_slice %arg13[%add3A_277, %dma_start3A_278] : memref<16384x128xf32, #tpu.memory_space<hbm>> -> memref<128x128xf32, #tpu.memory_space<hbm>>
    %dma_start3A_280 = arith.constant 0 : i32
    %dma_start3A_281 = tpu.memref_slice %arg13[%add3A_277, %dma_start3A_280] : memref<16384x128xf32, #tpu.memory_space<hbm>> -> memref<128x128xf32, #tpu.memory_space<hbm>>
    tpu.enqueue_dma source(%arg19 : memref<128x128xf32, #tpu.memory_space<vmem>>) target(%dma_start3A_281 : memref<128x128xf32, #tpu.memory_space<hbm>>) target_semaphore(%arg23 : memref<!tpu.dma_semaphore, #tpu.memory_space<semaphore_mem>>)
    %dma_wait3A_282 = arith.constant 256 : i32
    %dma_wait3A_283 = tpu.memref_slice %arg16[%dma_wait3A_282] : memref<512xi32, #tpu.memory_space<vmem>> -> memref<128xi32, #tpu.memory_space<vmem>>
    %dma_wait3A_284 = arith.constant 0 : i32
    %dma_wait3A_285 = arith.constant 0 : i32
    %dma_wait3A_286 = tpu.memref_slice %arg8[%dma_wait3A_284, %dma_wait3A_285] : memref<125440x128xf32, #tpu.memory_space<hbm>> -> memref<125440x128xf32, #tpu.memory_space<hbm>>
    tpu.wait_indirect_dma semaphore(%arg20 : memref<!tpu.dma_semaphore, #tpu.memory_space<semaphore_mem>>) src(%dma_wait3A_286 : memref<125440x128xf32, #tpu.memory_space<hbm>>) dst(%arg18 : memref<128x128xf32, #tpu.memory_space<vmem>>)
    %dma_wait3A_287 = arith.constant 0 : i32
    %dma_wait3A_288 = tpu.memref_slice %arg13[%add3A_277, %dma_wait3A_287] : memref<16384x128xf32, #tpu.memory_space<hbm>> -> memref<128x128xf32, #tpu.memory_space<hbm>>
    %dma_wait3A_289 = arith.constant 0 : i32
    %dma_wait3A_290 = tpu.memref_slice %arg13[%add3A_277, %dma_wait3A_289] : memref<16384x128xf32, #tpu.memory_space<hbm>> -> memref<128x128xf32, #tpu.memory_space<hbm>>
    tpu.wait_dma2 semaphore(%arg23 : memref<!tpu.dma_semaphore, #tpu.memory_space<semaphore_mem>>) src(%arg19 : memref<128x128xf32, #tpu.memory_space<vmem>>) dst(%dma_wait3A_290 : memref<128x128xf32, #tpu.memory_space<hbm>>)
    %dma_start3A_291 = arith.constant 384 : i32
    %dma_start3A_292 = tpu.memref_slice %arg16[%dma_start3A_291] : memref<512xi32, #tpu.memory_space<vmem>> -> memref<128xi32, #tpu.memory_space<vmem>>
    %dma_start3A_293 = arith.constant 0 : i32
    %dma_start3A_294 = arith.constant 0 : i32
    %dma_start3A_295 = tpu.memref_slice %arg8[%dma_start3A_293, %dma_start3A_294] : memref<125440x128xf32, #tpu.memory_space<hbm>> -> memref<125440x128xf32, #tpu.memory_space<hbm>>
    tpu.enqueue_indirect_dma source(%dma_start3A_295 : memref<125440x128xf32, #tpu.memory_space<hbm>>) target(%arg19 : memref<128x128xf32, #tpu.memory_space<vmem>>) offsets(%dma_start3A_292 : memref<128xi32, #tpu.memory_space<vmem>>) semaphore(%arg21 : memref<!tpu.dma_semaphore, #tpu.memory_space<semaphore_mem>>)
    %add3A_296 = arith.constant 256 : i32
    %add3A_297 = arith.addi %mul3A_2, %add3A_296 : i32
    %dma_start3A_298 = arith.constant 0 : i32
    %dma_start3A_299 = tpu.memref_slice %arg13[%add3A_297, %dma_start3A_298] : memref<16384x128xf32, #tpu.memory_space<hbm>> -> memref<128x128xf32, #tpu.memory_space<hbm>>
    %dma_start3A_300 = arith.constant 0 : i32
    %dma_start3A_301 = tpu.memref_slice %arg13[%add3A_297, %dma_start3A_300] : memref<16384x128xf32, #tpu.memory_space<hbm>> -> memref<128x128xf32, #tpu.memory_space<hbm>>
    tpu.enqueue_dma source(%arg18 : memref<128x128xf32, #tpu.memory_space<vmem>>) target(%dma_start3A_301 : memref<128x128xf32, #tpu.memory_space<hbm>>) target_semaphore(%arg22 : memref<!tpu.dma_semaphore, #tpu.memory_space<semaphore_mem>>)
    %dma_wait3A_302 = arith.constant 384 : i32
    %dma_wait3A_303 = tpu.memref_slice %arg16[%dma_wait3A_302] : memref<512xi32, #tpu.memory_space<vmem>> -> memref<128xi32, #tpu.memory_space<vmem>>
    %dma_wait3A_304 = arith.constant 0 : i32
    %dma_wait3A_305 = arith.constant 0 : i32
    %dma_wait3A_306 = tpu.memref_slice %arg8[%dma_wait3A_304, %dma_wait3A_305] : memref<125440x128xf32, #tpu.memory_space<hbm>> -> memref<125440x128xf32, #tpu.memory_space<hbm>>
    tpu.wait_indirect_dma semaphore(%arg21 : memref<!tpu.dma_semaphore, #tpu.memory_space<semaphore_mem>>) src(%dma_wait3A_306 : memref<125440x128xf32, #tpu.memory_space<hbm>>) dst(%arg19 : memref<128x128xf32, #tpu.memory_space<vmem>>)
    %dma_wait3A_307 = arith.constant 0 : i32
    %dma_wait3A_308 = tpu.memref_slice %arg13[%add3A_297, %dma_wait3A_307] : memref<16384x128xf32, #tpu.memory_space<hbm>> -> memref<128x128xf32, #tpu.memory_space<hbm>>
    %dma_wait3A_309 = arith.constant 0 : i32
    %dma_wait3A_310 = tpu.memref_slice %arg13[%add3A_297, %dma_wait3A_309] : memref<16384x128xf32, #tpu.memory_space<hbm>> -> memref<128x128xf32, #tpu.memory_space<hbm>>
    tpu.wait_dma2 semaphore(%arg22 : memref<!tpu.dma_semaphore, #tpu.memory_space<semaphore_mem>>) src(%arg18 : memref<128x128xf32, #tpu.memory_space<vmem>>) dst(%dma_wait3A_310 : memref<128x128xf32, #tpu.memory_space<hbm>>)
    %dma_start3A_311 = arith.constant 0 : i32
    %dma_start3A_312 = tpu.memref_slice %arg17[%dma_start3A_311] : memref<512xi32, #tpu.memory_space<vmem>> -> memref<128xi32, #tpu.memory_space<vmem>>
    %dma_start3A_313 = arith.constant 0 : i32
    %dma_start3A_314 = arith.constant 0 : i32
    %dma_start3A_315 = tpu.memref_slice %arg6[%dma_start3A_313, %dma_start3A_314] : memref<125440x128xf32, #tpu.memory_space<hbm>> -> memref<125440x128xf32, #tpu.memory_space<hbm>>
    tpu.enqueue_indirect_dma source(%dma_start3A_315 : memref<125440x128xf32, #tpu.memory_space<hbm>>) target(%arg18 : memref<128x128xf32, #tpu.memory_space<vmem>>) offsets(%dma_start3A_312 : memref<128xi32, #tpu.memory_space<vmem>>) semaphore(%arg20 : memref<!tpu.dma_semaphore, #tpu.memory_space<semaphore_mem>>)
    %add3A_316 = arith.constant 384 : i32
    %add3A_317 = arith.addi %mul3A_2, %add3A_316 : i32
    %dma_start3A_318 = arith.constant 0 : i32
    %dma_start3A_319 = tpu.memref_slice %arg13[%add3A_317, %dma_start3A_318] : memref<16384x128xf32, #tpu.memory_space<hbm>> -> memref<128x128xf32, #tpu.memory_space<hbm>>
    %dma_start3A_320 = arith.constant 0 : i32
    %dma_start3A_321 = tpu.memref_slice %arg13[%add3A_317, %dma_start3A_320] : memref<16384x128xf32, #tpu.memory_space<hbm>> -> memref<128x128xf32, #tpu.memory_space<hbm>>
    tpu.enqueue_dma source(%arg19 : memref<128x128xf32, #tpu.memory_space<vmem>>) target(%dma_start3A_321 : memref<128x128xf32, #tpu.memory_space<hbm>>) target_semaphore(%arg23 : memref<!tpu.dma_semaphore, #tpu.memory_space<semaphore_mem>>)
    %dma_wait3A_322 = arith.constant 0 : i32
    %dma_wait3A_323 = tpu.memref_slice %arg17[%dma_wait3A_322] : memref<512xi32, #tpu.memory_space<vmem>> -> memref<128xi32, #tpu.memory_space<vmem>>
    %dma_wait3A_324 = arith.constant 0 : i32
    %dma_wait3A_325 = arith.constant 0 : i32
    %dma_wait3A_326 = tpu.memref_slice %arg6[%dma_wait3A_324, %dma_wait3A_325] : memref<125440x128xf32, #tpu.memory_space<hbm>> -> memref<125440x128xf32, #tpu.memory_space<hbm>>
    tpu.wait_indirect_dma semaphore(%arg20 : memref<!tpu.dma_semaphore, #tpu.memory_space<semaphore_mem>>) src(%dma_wait3A_326 : memref<125440x128xf32, #tpu.memory_space<hbm>>) dst(%arg18 : memref<128x128xf32, #tpu.memory_space<vmem>>)
    %dma_wait3A_327 = arith.constant 0 : i32
    %dma_wait3A_328 = tpu.memref_slice %arg13[%add3A_317, %dma_wait3A_327] : memref<16384x128xf32, #tpu.memory_space<hbm>> -> memref<128x128xf32, #tpu.memory_space<hbm>>
    %dma_wait3A_329 = arith.constant 0 : i32
    %dma_wait3A_330 = tpu.memref_slice %arg13[%add3A_317, %dma_wait3A_329] : memref<16384x128xf32, #tpu.memory_space<hbm>> -> memref<128x128xf32, #tpu.memory_space<hbm>>
    tpu.wait_dma2 semaphore(%arg23 : memref<!tpu.dma_semaphore, #tpu.memory_space<semaphore_mem>>) src(%arg19 : memref<128x128xf32, #tpu.memory_space<vmem>>) dst(%dma_wait3A_330 : memref<128x128xf32, #tpu.memory_space<hbm>>)
    %dma_start3A_331 = arith.constant 128 : i32
    %dma_start3A_332 = tpu.memref_slice %arg17[%dma_start3A_331] : memref<512xi32, #tpu.memory_space<vmem>> -> memref<128xi32, #tpu.memory_space<vmem>>
    %dma_start3A_333 = arith.constant 0 : i32
    %dma_start3A_334 = arith.constant 0 : i32
    %dma_start3A_335 = tpu.memref_slice %arg6[%dma_start3A_333, %dma_start3A_334] : memref<125440x128xf32, #tpu.memory_space<hbm>> -> memref<125440x128xf32, #tpu.memory_space<hbm>>
    tpu.enqueue_indirect_dma source(%dma_start3A_335 : memref<125440x128xf32, #tpu.memory_space<hbm>>) target(%arg19 : memref<128x128xf32, #tpu.memory_space<vmem>>) offsets(%dma_start3A_332 : memref<128xi32, #tpu.memory_space<vmem>>) semaphore(%arg21 : memref<!tpu.dma_semaphore, #tpu.memory_space<semaphore_mem>>)
    %add3A_336 = arith.constant 0 : i32
    %add3A_337 = arith.addi %mul3A_2, %add3A_336 : i32
    %dma_start3A_338 = arith.constant 0 : i32
    %dma_start3A_339 = tpu.memref_slice %arg11[%add3A_337, %dma_start3A_338] : memref<16384x128xf32, #tpu.memory_space<hbm>> -> memref<128x128xf32, #tpu.memory_space<hbm>>
    %dma_start3A_340 = arith.constant 0 : i32
    %dma_start3A_341 = tpu.memref_slice %arg11[%add3A_337, %dma_start3A_340] : memref<16384x128xf32, #tpu.memory_space<hbm>> -> memref<128x128xf32, #tpu.memory_space<hbm>>
    tpu.enqueue_dma source(%arg18 : memref<128x128xf32, #tpu.memory_space<vmem>>) target(%dma_start3A_341 : memref<128x128xf32, #tpu.memory_space<hbm>>) target_semaphore(%arg22 : memref<!tpu.dma_semaphore, #tpu.memory_space<semaphore_mem>>)
    %dma_wait3A_342 = arith.constant 128 : i32
    %dma_wait3A_343 = tpu.memref_slice %arg17[%dma_wait3A_342] : memref<512xi32, #tpu.memory_space<vmem>> -> memref<128xi32, #tpu.memory_space<vmem>>
    %dma_wait3A_344 = arith.constant 0 : i32
    %dma_wait3A_345 = arith.constant 0 : i32
    %dma_wait3A_346 = tpu.memref_slice %arg6[%dma_wait3A_344, %dma_wait3A_345] : memref<125440x128xf32, #tpu.memory_space<hbm>> -> memref<125440x128xf32, #tpu.memory_space<hbm>>
    tpu.wait_indirect_dma semaphore(%arg21 : memref<!tpu.dma_semaphore, #tpu.memory_space<semaphore_mem>>) src(%dma_wait3A_346 : memref<125440x128xf32, #tpu.memory_space<hbm>>) dst(%arg19 : memref<128x128xf32, #tpu.memory_space<vmem>>)
    %dma_wait3A_347 = arith.constant 0 : i32
    %dma_wait3A_348 = tpu.memref_slice %arg11[%add3A_337, %dma_wait3A_347] : memref<16384x128xf32, #tpu.memory_space<hbm>> -> memref<128x128xf32, #tpu.memory_space<hbm>>
    %dma_wait3A_349 = arith.constant 0 : i32
    %dma_wait3A_350 = tpu.memref_slice %arg11[%add3A_337, %dma_wait3A_349] : memref<16384x128xf32, #tpu.memory_space<hbm>> -> memref<128x128xf32, #tpu.memory_space<hbm>>
    tpu.wait_dma2 semaphore(%arg22 : memref<!tpu.dma_semaphore, #tpu.memory_space<semaphore_mem>>) src(%arg18 : memref<128x128xf32, #tpu.memory_space<vmem>>) dst(%dma_wait3A_350 : memref<128x128xf32, #tpu.memory_space<hbm>>)
    %dma_start3A_351 = arith.constant 256 : i32
    %dma_start3A_352 = tpu.memref_slice %arg17[%dma_start3A_351] : memref<512xi32, #tpu.memory_space<vmem>> -> memref<128xi32, #tpu.memory_space<vmem>>
    %dma_start3A_353 = arith.constant 0 : i32
    %dma_start3A_354 = arith.constant 0 : i32
    %dma_start3A_355 = tpu.memref_slice %arg6[%dma_start3A_353, %dma_start3A_354] : memref<125440x128xf32, #tpu.memory_space<hbm>> -> memref<125440x128xf32, #tpu.memory_space<hbm>>
    tpu.enqueue_indirect_dma source(%dma_start3A_355 : memref<125440x128xf32, #tpu.memory_space<hbm>>) target(%arg18 : memref<128x128xf32, #tpu.memory_space<vmem>>) offsets(%dma_start3A_352 : memref<128xi32, #tpu.memory_space<vmem>>) semaphore(%arg20 : memref<!tpu.dma_semaphore, #tpu.memory_space<semaphore_mem>>)
    %add3A_356 = arith.constant 128 : i32
    %add3A_357 = arith.addi %mul3A_2, %add3A_356 : i32
    %dma_start3A_358 = arith.constant 0 : i32
    %dma_start3A_359 = tpu.memref_slice %arg11[%add3A_357, %dma_start3A_358] : memref<16384x128xf32, #tpu.memory_space<hbm>> -> memref<128x128xf32, #tpu.memory_space<hbm>>
    %dma_start3A_360 = arith.constant 0 : i32
    %dma_start3A_361 = tpu.memref_slice %arg11[%add3A_357, %dma_start3A_360] : memref<16384x128xf32, #tpu.memory_space<hbm>> -> memref<128x128xf32, #tpu.memory_space<hbm>>
    tpu.enqueue_dma source(%arg19 : memref<128x128xf32, #tpu.memory_space<vmem>>) target(%dma_start3A_361 : memref<128x128xf32, #tpu.memory_space<hbm>>) target_semaphore(%arg23 : memref<!tpu.dma_semaphore, #tpu.memory_space<semaphore_mem>>)
    %dma_wait3A_362 = arith.constant 256 : i32
    %dma_wait3A_363 = tpu.memref_slice %arg17[%dma_wait3A_362] : memref<512xi32, #tpu.memory_space<vmem>> -> memref<128xi32, #tpu.memory_space<vmem>>
    %dma_wait3A_364 = arith.constant 0 : i32
    %dma_wait3A_365 = arith.constant 0 : i32
    %dma_wait3A_366 = tpu.memref_slice %arg6[%dma_wait3A_364, %dma_wait3A_365] : memref<125440x128xf32, #tpu.memory_space<hbm>> -> memref<125440x128xf32, #tpu.memory_space<hbm>>
    tpu.wait_indirect_dma semaphore(%arg20 : memref<!tpu.dma_semaphore, #tpu.memory_space<semaphore_mem>>) src(%dma_wait3A_366 : memref<125440x128xf32, #tpu.memory_space<hbm>>) dst(%arg18 : memref<128x128xf32, #tpu.memory_space<vmem>>)
    %dma_wait3A_367 = arith.constant 0 : i32
    %dma_wait3A_368 = tpu.memref_slice %arg11[%add3A_357, %dma_wait3A_367] : memref<16384x128xf32, #tpu.memory_space<hbm>> -> memref<128x128xf32, #tpu.memory_space<hbm>>
    %dma_wait3A_369 = arith.constant 0 : i32
    %dma_wait3A_370 = tpu.memref_slice %arg11[%add3A_357, %dma_wait3A_369] : memref<16384x128xf32, #tpu.memory_space<hbm>> -> memref<128x128xf32, #tpu.memory_space<hbm>>
    tpu.wait_dma2 semaphore(%arg23 : memref<!tpu.dma_semaphore, #tpu.memory_space<semaphore_mem>>) src(%arg19 : memref<128x128xf32, #tpu.memory_space<vmem>>) dst(%dma_wait3A_370 : memref<128x128xf32, #tpu.memory_space<hbm>>)
    %dma_start3A_371 = arith.constant 384 : i32
    %dma_start3A_372 = tpu.memref_slice %arg17[%dma_start3A_371] : memref<512xi32, #tpu.memory_space<vmem>> -> memref<128xi32, #tpu.memory_space<vmem>>
    %dma_start3A_373 = arith.constant 0 : i32
    %dma_start3A_374 = arith.constant 0 : i32
    %dma_start3A_375 = tpu.memref_slice %arg6[%dma_start3A_373, %dma_start3A_374] : memref<125440x128xf32, #tpu.memory_space<hbm>> -> memref<125440x128xf32, #tpu.memory_space<hbm>>
    tpu.enqueue_indirect_dma source(%dma_start3A_375 : memref<125440x128xf32, #tpu.memory_space<hbm>>) target(%arg19 : memref<128x128xf32, #tpu.memory_space<vmem>>) offsets(%dma_start3A_372 : memref<128xi32, #tpu.memory_space<vmem>>) semaphore(%arg21 : memref<!tpu.dma_semaphore, #tpu.memory_space<semaphore_mem>>)
    %add3A_376 = arith.constant 256 : i32
    %add3A_377 = arith.addi %mul3A_2, %add3A_376 : i32
    %dma_start3A_378 = arith.constant 0 : i32
    %dma_start3A_379 = tpu.memref_slice %arg11[%add3A_377, %dma_start3A_378] : memref<16384x128xf32, #tpu.memory_space<hbm>> -> memref<128x128xf32, #tpu.memory_space<hbm>>
    %dma_start3A_380 = arith.constant 0 : i32
    %dma_start3A_381 = tpu.memref_slice %arg11[%add3A_377, %dma_start3A_380] : memref<16384x128xf32, #tpu.memory_space<hbm>> -> memref<128x128xf32, #tpu.memory_space<hbm>>
    tpu.enqueue_dma source(%arg18 : memref<128x128xf32, #tpu.memory_space<vmem>>) target(%dma_start3A_381 : memref<128x128xf32, #tpu.memory_space<hbm>>) target_semaphore(%arg22 : memref<!tpu.dma_semaphore, #tpu.memory_space<semaphore_mem>>)
    %dma_wait3A_382 = arith.constant 384 : i32
    %dma_wait3A_383 = tpu.memref_slice %arg17[%dma_wait3A_382] : memref<512xi32, #tpu.memory_space<vmem>> -> memref<128xi32, #tpu.memory_space<vmem>>
    %dma_wait3A_384 = arith.constant 0 : i32
    %dma_wait3A_385 = arith.constant 0 : i32
    %dma_wait3A_386 = tpu.memref_slice %arg6[%dma_wait3A_384, %dma_wait3A_385] : memref<125440x128xf32, #tpu.memory_space<hbm>> -> memref<125440x128xf32, #tpu.memory_space<hbm>>
    tpu.wait_indirect_dma semaphore(%arg21 : memref<!tpu.dma_semaphore, #tpu.memory_space<semaphore_mem>>) src(%dma_wait3A_386 : memref<125440x128xf32, #tpu.memory_space<hbm>>) dst(%arg19 : memref<128x128xf32, #tpu.memory_space<vmem>>)
    %dma_wait3A_387 = arith.constant 0 : i32
    %dma_wait3A_388 = tpu.memref_slice %arg11[%add3A_377, %dma_wait3A_387] : memref<16384x128xf32, #tpu.memory_space<hbm>> -> memref<128x128xf32, #tpu.memory_space<hbm>>
    %dma_wait3A_389 = arith.constant 0 : i32
    %dma_wait3A_390 = tpu.memref_slice %arg11[%add3A_377, %dma_wait3A_389] : memref<16384x128xf32, #tpu.memory_space<hbm>> -> memref<128x128xf32, #tpu.memory_space<hbm>>
    tpu.wait_dma2 semaphore(%arg22 : memref<!tpu.dma_semaphore, #tpu.memory_space<semaphore_mem>>) src(%arg18 : memref<128x128xf32, #tpu.memory_space<vmem>>) dst(%dma_wait3A_390 : memref<128x128xf32, #tpu.memory_space<hbm>>)
    %dma_start3A_391 = arith.constant 0 : i32
    %dma_start3A_392 = tpu.memref_slice %arg17[%dma_start3A_391] : memref<512xi32, #tpu.memory_space<vmem>> -> memref<128xi32, #tpu.memory_space<vmem>>
    %dma_start3A_393 = arith.constant 0 : i32
    %dma_start3A_394 = arith.constant 0 : i32
    %dma_start3A_395 = tpu.memref_slice %arg8[%dma_start3A_393, %dma_start3A_394] : memref<125440x128xf32, #tpu.memory_space<hbm>> -> memref<125440x128xf32, #tpu.memory_space<hbm>>
    tpu.enqueue_indirect_dma source(%dma_start3A_395 : memref<125440x128xf32, #tpu.memory_space<hbm>>) target(%arg18 : memref<128x128xf32, #tpu.memory_space<vmem>>) offsets(%dma_start3A_392 : memref<128xi32, #tpu.memory_space<vmem>>) semaphore(%arg20 : memref<!tpu.dma_semaphore, #tpu.memory_space<semaphore_mem>>)
    %add3A_396 = arith.constant 384 : i32
    %add3A_397 = arith.addi %mul3A_2, %add3A_396 : i32
    %dma_start3A_398 = arith.constant 0 : i32
    %dma_start3A_399 = tpu.memref_slice %arg11[%add3A_397, %dma_start3A_398] : memref<16384x128xf32, #tpu.memory_space<hbm>> -> memref<128x128xf32, #tpu.memory_space<hbm>>
    %dma_start3A_400 = arith.constant 0 : i32
    %dma_start3A_401 = tpu.memref_slice %arg11[%add3A_397, %dma_start3A_400] : memref<16384x128xf32, #tpu.memory_space<hbm>> -> memref<128x128xf32, #tpu.memory_space<hbm>>
    tpu.enqueue_dma source(%arg19 : memref<128x128xf32, #tpu.memory_space<vmem>>) target(%dma_start3A_401 : memref<128x128xf32, #tpu.memory_space<hbm>>) target_semaphore(%arg23 : memref<!tpu.dma_semaphore, #tpu.memory_space<semaphore_mem>>)
    %dma_wait3A_402 = arith.constant 0 : i32
    %dma_wait3A_403 = tpu.memref_slice %arg17[%dma_wait3A_402] : memref<512xi32, #tpu.memory_space<vmem>> -> memref<128xi32, #tpu.memory_space<vmem>>
    %dma_wait3A_404 = arith.constant 0 : i32
    %dma_wait3A_405 = arith.constant 0 : i32
    %dma_wait3A_406 = tpu.memref_slice %arg8[%dma_wait3A_404, %dma_wait3A_405] : memref<125440x128xf32, #tpu.memory_space<hbm>> -> memref<125440x128xf32, #tpu.memory_space<hbm>>
    tpu.wait_indirect_dma semaphore(%arg20 : memref<!tpu.dma_semaphore, #tpu.memory_space<semaphore_mem>>) src(%dma_wait3A_406 : memref<125440x128xf32, #tpu.memory_space<hbm>>) dst(%arg18 : memref<128x128xf32, #tpu.memory_space<vmem>>)
    %dma_wait3A_407 = arith.constant 0 : i32
    %dma_wait3A_408 = tpu.memref_slice %arg11[%add3A_397, %dma_wait3A_407] : memref<16384x128xf32, #tpu.memory_space<hbm>> -> memref<128x128xf32, #tpu.memory_space<hbm>>
    %dma_wait3A_409 = arith.constant 0 : i32
    %dma_wait3A_410 = tpu.memref_slice %arg11[%add3A_397, %dma_wait3A_409] : memref<16384x128xf32, #tpu.memory_space<hbm>> -> memref<128x128xf32, #tpu.memory_space<hbm>>
    tpu.wait_dma2 semaphore(%arg23 : memref<!tpu.dma_semaphore, #tpu.memory_space<semaphore_mem>>) src(%arg19 : memref<128x128xf32, #tpu.memory_space<vmem>>) dst(%dma_wait3A_410 : memref<128x128xf32, #tpu.memory_space<hbm>>)
    %dma_start3A_411 = arith.constant 128 : i32
    %dma_start3A_412 = tpu.memref_slice %arg17[%dma_start3A_411] : memref<512xi32, #tpu.memory_space<vmem>> -> memref<128xi32, #tpu.memory_space<vmem>>
    %dma_start3A_413 = arith.constant 0 : i32
    %dma_start3A_414 = arith.constant 0 : i32
    %dma_start3A_415 = tpu.memref_slice %arg8[%dma_start3A_413, %dma_start3A_414] : memref<125440x128xf32, #tpu.memory_space<hbm>> -> memref<125440x128xf32, #tpu.memory_space<hbm>>
    tpu.enqueue_indirect_dma source(%dma_start3A_415 : memref<125440x128xf32, #tpu.memory_space<hbm>>) target(%arg19 : memref<128x128xf32, #tpu.memory_space<vmem>>) offsets(%dma_start3A_412 : memref<128xi32, #tpu.memory_space<vmem>>) semaphore(%arg21 : memref<!tpu.dma_semaphore, #tpu.memory_space<semaphore_mem>>)
    %add3A_416 = arith.constant 0 : i32
    %add3A_417 = arith.addi %mul3A_2, %add3A_416 : i32
    %dma_start3A_418 = arith.constant 0 : i32
    %dma_start3A_419 = tpu.memref_slice %arg14[%add3A_417, %dma_start3A_418] : memref<16384x128xf32, #tpu.memory_space<hbm>> -> memref<128x128xf32, #tpu.memory_space<hbm>>
    %dma_start3A_420 = arith.constant 0 : i32
    %dma_start3A_421 = tpu.memref_slice %arg14[%add3A_417, %dma_start3A_420] : memref<16384x128xf32, #tpu.memory_space<hbm>> -> memref<128x128xf32, #tpu.memory_space<hbm>>
    tpu.enqueue_dma source(%arg18 : memref<128x128xf32, #tpu.memory_space<vmem>>) target(%dma_start3A_421 : memref<128x128xf32, #tpu.memory_space<hbm>>) target_semaphore(%arg22 : memref<!tpu.dma_semaphore, #tpu.memory_space<semaphore_mem>>)
    %dma_wait3A_422 = arith.constant 128 : i32
    %dma_wait3A_423 = tpu.memref_slice %arg17[%dma_wait3A_422] : memref<512xi32, #tpu.memory_space<vmem>> -> memref<128xi32, #tpu.memory_space<vmem>>
    %dma_wait3A_424 = arith.constant 0 : i32
    %dma_wait3A_425 = arith.constant 0 : i32
    %dma_wait3A_426 = tpu.memref_slice %arg8[%dma_wait3A_424, %dma_wait3A_425] : memref<125440x128xf32, #tpu.memory_space<hbm>> -> memref<125440x128xf32, #tpu.memory_space<hbm>>
    tpu.wait_indirect_dma semaphore(%arg21 : memref<!tpu.dma_semaphore, #tpu.memory_space<semaphore_mem>>) src(%dma_wait3A_426 : memref<125440x128xf32, #tpu.memory_space<hbm>>) dst(%arg19 : memref<128x128xf32, #tpu.memory_space<vmem>>)
    %dma_wait3A_427 = arith.constant 0 : i32
    %dma_wait3A_428 = tpu.memref_slice %arg14[%add3A_417, %dma_wait3A_427] : memref<16384x128xf32, #tpu.memory_space<hbm>> -> memref<128x128xf32, #tpu.memory_space<hbm>>
    %dma_wait3A_429 = arith.constant 0 : i32
    %dma_wait3A_430 = tpu.memref_slice %arg14[%add3A_417, %dma_wait3A_429] : memref<16384x128xf32, #tpu.memory_space<hbm>> -> memref<128x128xf32, #tpu.memory_space<hbm>>
    tpu.wait_dma2 semaphore(%arg22 : memref<!tpu.dma_semaphore, #tpu.memory_space<semaphore_mem>>) src(%arg18 : memref<128x128xf32, #tpu.memory_space<vmem>>) dst(%dma_wait3A_430 : memref<128x128xf32, #tpu.memory_space<hbm>>)
    %dma_start3A_431 = arith.constant 256 : i32
    %dma_start3A_432 = tpu.memref_slice %arg17[%dma_start3A_431] : memref<512xi32, #tpu.memory_space<vmem>> -> memref<128xi32, #tpu.memory_space<vmem>>
    %dma_start3A_433 = arith.constant 0 : i32
    %dma_start3A_434 = arith.constant 0 : i32
    %dma_start3A_435 = tpu.memref_slice %arg8[%dma_start3A_433, %dma_start3A_434] : memref<125440x128xf32, #tpu.memory_space<hbm>> -> memref<125440x128xf32, #tpu.memory_space<hbm>>
    tpu.enqueue_indirect_dma source(%dma_start3A_435 : memref<125440x128xf32, #tpu.memory_space<hbm>>) target(%arg18 : memref<128x128xf32, #tpu.memory_space<vmem>>) offsets(%dma_start3A_432 : memref<128xi32, #tpu.memory_space<vmem>>) semaphore(%arg20 : memref<!tpu.dma_semaphore, #tpu.memory_space<semaphore_mem>>)
    %add3A_436 = arith.constant 128 : i32
    %add3A_437 = arith.addi %mul3A_2, %add3A_436 : i32
    %dma_start3A_438 = arith.constant 0 : i32
    %dma_start3A_439 = tpu.memref_slice %arg14[%add3A_437, %dma_start3A_438] : memref<16384x128xf32, #tpu.memory_space<hbm>> -> memref<128x128xf32, #tpu.memory_space<hbm>>
    %dma_start3A_440 = arith.constant 0 : i32
    %dma_start3A_441 = tpu.memref_slice %arg14[%add3A_437, %dma_start3A_440] : memref<16384x128xf32, #tpu.memory_space<hbm>> -> memref<128x128xf32, #tpu.memory_space<hbm>>
    tpu.enqueue_dma source(%arg19 : memref<128x128xf32, #tpu.memory_space<vmem>>) target(%dma_start3A_441 : memref<128x128xf32, #tpu.memory_space<hbm>>) target_semaphore(%arg23 : memref<!tpu.dma_semaphore, #tpu.memory_space<semaphore_mem>>)
    %dma_wait3A_442 = arith.constant 256 : i32
    %dma_wait3A_443 = tpu.memref_slice %arg17[%dma_wait3A_442] : memref<512xi32, #tpu.memory_space<vmem>> -> memref<128xi32, #tpu.memory_space<vmem>>
    %dma_wait3A_444 = arith.constant 0 : i32
    %dma_wait3A_445 = arith.constant 0 : i32
    %dma_wait3A_446 = tpu.memref_slice %arg8[%dma_wait3A_444, %dma_wait3A_445] : memref<125440x128xf32, #tpu.memory_space<hbm>> -> memref<125440x128xf32, #tpu.memory_space<hbm>>
    tpu.wait_indirect_dma semaphore(%arg20 : memref<!tpu.dma_semaphore, #tpu.memory_space<semaphore_mem>>) src(%dma_wait3A_446 : memref<125440x128xf32, #tpu.memory_space<hbm>>) dst(%arg18 : memref<128x128xf32, #tpu.memory_space<vmem>>)
    %dma_wait3A_447 = arith.constant 0 : i32
    %dma_wait3A_448 = tpu.memref_slice %arg14[%add3A_437, %dma_wait3A_447] : memref<16384x128xf32, #tpu.memory_space<hbm>> -> memref<128x128xf32, #tpu.memory_space<hbm>>
    %dma_wait3A_449 = arith.constant 0 : i32
    %dma_wait3A_450 = tpu.memref_slice %arg14[%add3A_437, %dma_wait3A_449] : memref<16384x128xf32, #tpu.memory_space<hbm>> -> memref<128x128xf32, #tpu.memory_space<hbm>>
    tpu.wait_dma2 semaphore(%arg23 : memref<!tpu.dma_semaphore, #tpu.memory_space<semaphore_mem>>) src(%arg19 : memref<128x128xf32, #tpu.memory_space<vmem>>) dst(%dma_wait3A_450 : memref<128x128xf32, #tpu.memory_space<hbm>>)
    %dma_start3A_451 = arith.constant 384 : i32
    %dma_start3A_452 = tpu.memref_slice %arg17[%dma_start3A_451] : memref<512xi32, #tpu.memory_space<vmem>> -> memref<128xi32, #tpu.memory_space<vmem>>
    %dma_start3A_453 = arith.constant 0 : i32
    %dma_start3A_454 = arith.constant 0 : i32
    %dma_start3A_455 = tpu.memref_slice %arg8[%dma_start3A_453, %dma_start3A_454] : memref<125440x128xf32, #tpu.memory_space<hbm>> -> memref<125440x128xf32, #tpu.memory_space<hbm>>
    tpu.enqueue_indirect_dma source(%dma_start3A_455 : memref<125440x128xf32, #tpu.memory_space<hbm>>) target(%arg19 : memref<128x128xf32, #tpu.memory_space<vmem>>) offsets(%dma_start3A_452 : memref<128xi32, #tpu.memory_space<vmem>>) semaphore(%arg21 : memref<!tpu.dma_semaphore, #tpu.memory_space<semaphore_mem>>)
    %add3A_456 = arith.constant 256 : i32
    %add3A_457 = arith.addi %mul3A_2, %add3A_456 : i32
    %dma_start3A_458 = arith.constant 0 : i32
    %dma_start3A_459 = tpu.memref_slice %arg14[%add3A_457, %dma_start3A_458] : memref<16384x128xf32, #tpu.memory_space<hbm>> -> memref<128x128xf32, #tpu.memory_space<hbm>>
    %dma_start3A_460 = arith.constant 0 : i32
    %dma_start3A_461 = tpu.memref_slice %arg14[%add3A_457, %dma_start3A_460] : memref<16384x128xf32, #tpu.memory_space<hbm>> -> memref<128x128xf32, #tpu.memory_space<hbm>>
    tpu.enqueue_dma source(%arg18 : memref<128x128xf32, #tpu.memory_space<vmem>>) target(%dma_start3A_461 : memref<128x128xf32, #tpu.memory_space<hbm>>) target_semaphore(%arg22 : memref<!tpu.dma_semaphore, #tpu.memory_space<semaphore_mem>>)
    %dma_wait3A_462 = arith.constant 384 : i32
    %dma_wait3A_463 = tpu.memref_slice %arg17[%dma_wait3A_462] : memref<512xi32, #tpu.memory_space<vmem>> -> memref<128xi32, #tpu.memory_space<vmem>>
    %dma_wait3A_464 = arith.constant 0 : i32
    %dma_wait3A_465 = arith.constant 0 : i32
    %dma_wait3A_466 = tpu.memref_slice %arg8[%dma_wait3A_464, %dma_wait3A_465] : memref<125440x128xf32, #tpu.memory_space<hbm>> -> memref<125440x128xf32, #tpu.memory_space<hbm>>
    tpu.wait_indirect_dma semaphore(%arg21 : memref<!tpu.dma_semaphore, #tpu.memory_space<semaphore_mem>>) src(%dma_wait3A_466 : memref<125440x128xf32, #tpu.memory_space<hbm>>) dst(%arg19 : memref<128x128xf32, #tpu.memory_space<vmem>>)
    %add3A_467 = arith.constant 384 : i32
    %add3A_468 = arith.addi %mul3A_2, %add3A_467 : i32
    %dma_start3A_469 = arith.constant 0 : i32
    %dma_start3A_470 = tpu.memref_slice %arg14[%add3A_468, %dma_start3A_469] : memref<16384x128xf32, #tpu.memory_space<hbm>> -> memref<128x128xf32, #tpu.memory_space<hbm>>
    %dma_start3A_471 = arith.constant 0 : i32
    %dma_start3A_472 = tpu.memref_slice %arg14[%add3A_468, %dma_start3A_471] : memref<16384x128xf32, #tpu.memory_space<hbm>> -> memref<128x128xf32, #tpu.memory_space<hbm>>
    tpu.enqueue_dma source(%arg19 : memref<128x128xf32, #tpu.memory_space<vmem>>) target(%dma_start3A_472 : memref<128x128xf32, #tpu.memory_space<hbm>>) target_semaphore(%arg23 : memref<!tpu.dma_semaphore, #tpu.memory_space<semaphore_mem>>)
    %dma_wait3A_473 = arith.constant 0 : i32
    %dma_wait3A_474 = tpu.memref_slice %arg14[%add3A_457, %dma_wait3A_473] : memref<16384x128xf32, #tpu.memory_space<hbm>> -> memref<128x128xf32, #tpu.memory_space<hbm>>
    %dma_wait3A_475 = arith.constant 0 : i32
    %dma_wait3A_476 = tpu.memref_slice %arg14[%add3A_457, %dma_wait3A_475] : memref<16384x128xf32, #tpu.memory_space<hbm>> -> memref<128x128xf32, #tpu.memory_space<hbm>>
    tpu.wait_dma2 semaphore(%arg22 : memref<!tpu.dma_semaphore, #tpu.memory_space<semaphore_mem>>) src(%arg18 : memref<128x128xf32, #tpu.memory_space<vmem>>) dst(%dma_wait3A_476 : memref<128x128xf32, #tpu.memory_space<hbm>>)
    %dma_wait3A_477 = arith.constant 0 : i32
    %dma_wait3A_478 = tpu.memref_slice %arg14[%add3A_468, %dma_wait3A_477] : memref<16384x128xf32, #tpu.memory_space<hbm>> -> memref<128x128xf32, #tpu.memory_space<hbm>>
    %dma_wait3A_479 = arith.constant 0 : i32
    %dma_wait3A_480 = tpu.memref_slice %arg14[%add3A_468, %dma_wait3A_479] : memref<16384x128xf32, #tpu.memory_space<hbm>> -> memref<128x128xf32, #tpu.memory_space<hbm>>
    tpu.wait_dma2 semaphore(%arg23 : memref<!tpu.dma_semaphore, #tpu.memory_space<semaphore_mem>>) src(%arg19 : memref<128x128xf32, #tpu.memory_space<vmem>>) dst(%dma_wait3A_480 : memref<128x128xf32, #tpu.memory_space<hbm>>)
    return
  }
}

</mosaic_0001>

<sc_bundles>
// kernel: _gather6.3.cloned.1.call-start
scs
__scs_entry_jumppad:
0x0: {  	(pc) =	sbr.rel $0x88, $3  }
0x1: {  	(tag) =	ssettag $0x0;
	lr =	simm.s32 $0x1  }
0x2: {  	[smem:$0x3F9A] =	sst lr;
	_ =	strace $0xD0000000  }
0x3: {  	_ = 	snop  }
0x4: {  	_ = 	snop  }
0x5: {  	_ = 	snop  }
0x6: {  	_ = 	snop  }
0x7: {  	_ = 	snop  }
__scs_overlays_trampoline_lowered:
0x8: {  	[smem:$0x3FA9] =	sst s0  }
0x9: {  	[smem:$0x3FAA] =	sst s1  }
0xa: {  	[smem:$0x3FAB] =	sst s2  }
0xb: {  	[smem:$0x3FAC] =	sst s3  }
0xc: {  	[smem:$0x3FAD] =	sst s4  }
0xd: {  	[smem:$0x3FAE] =	sst s5  }
0xe: {  	[smem:$0x3FAF] =	sst s6  }
0xf: {  	[smem:$0x3FB0] =	sst s7  }
0x10: {  	[smem:$0x3FB1] =	sst s8  }
0x11: {  	[smem:$0x3FB2] =	sst s9;
	s0 =	simm.s32 @!p0 $0x0  }
0x12: {  	s1 =	sld [smem:$0x3F98];
	s0 =	simm.s32 @p0 $0x1  }
0x13: {  	[smem:$0x3FB3] =	sst s0;
	s0 =	simm.s32 @!p1 $0x0  }
0x14: {  	s2 =	sld [smem:$0x3F97];
	s0 =	simm.s32 @p1 $0x1  }
0x15: {  	[smem:$0x3FB4] =	sst s0;
	s0 =	simm.s32 @!p2 $0x0  }
0x16: {  	s3 =	sld [smem:$0x3FDB];
	s0 =	simm.s32 @p2 $0x1  }
0x17: {  	s4 =	simm.s32 $0x1BF5;
	[smem:$0x3FB6] =	sst s0  }
0x18: {  	s0 =	sld [smem:$0x3F99];
	_ =	swait.ge [sflag:s4], $0x0  }
0x19: {  	s7 =	sld [smem:$0x3F9A]  }
0x1a: {  	s8 =	sadd.s32 $0xFFFFE003, lr  }
0x1b: {  	s9 =	sadd.s32 $0xFFFFFEF7, lr;
	s5 =	simm.s32 $0xFFFFFFFF;
	p2 =	slt.u32 s8, $0xFFFFF086  }
0x1c: {  	p1 =	slt.u32 s9, $0xF7A;
	s5 =	simm.s32 @!p2 $0x0  }
0x1d: {  	s5 =	simm.s32 @p1 $0x1;
	p0 =	seq.s32 s7, s2  }
0x1e: {  	s7 =	smul.u32 @!p0 $0xF7A, s2;
	p2 =	seq.s32 @!p0 s5, $0x0  }
0x1f: {  	s9 =	smul.u32 $0xF7A, s1;
	s8 =	simm.s32 @!p0 $0x1BF5;
	p2 =	por !p2, p0  }
0x20: {  	[sflag:s8] =	ssyncset.s32 @!p0 $0xFFFFF086;
	s6 =	sadd.s32 @!p0 s3, s7;
	s7 =	simm.s32 @!p0 $0x108  }
0x21: {  	s3 =	sadd.s32 s3, s9;
	s6 =	sadd.s32 @!p0 $0x88, s6;
	s7 =	simm.s32 @p2 $0x1082  }
0x22: {  	[simem:s7], [sflag:s8] =	dma.local @!p0 [hbm:s6], $0xF7A  }
0x23: {  	s9 =	sor.u32 $0xD0000000, s2;
	s6 =	simm.s32 $0x108;
	_ =	swait.ge @!p0 [sflag:s8], $0x0  }
0x24: {  	s3 =	sadd.s32 $0x88, s3;
	s6 =	simm.s32 @!p1 $0x1082;
	[sflag:s4] =	ssyncset.s32 $0xFFFFF086  }
0x25: {  	[simem:s6], [sflag:s4] =	dma.local [hbm:s3], $0xF7A  }
0x26: {  	[smem:$0x3F9A] =	sst s1;
	(tag) =	ssettag s2;
	_ =	strace s9  }
0x27: {  	s1 =	sld [smem:$0x3FAA]  }
0x28: {  	s2 =	sld [smem:$0x3FAB]  }
0x29: {  	s4 =	sld [smem:$0x3FAD]  }
0x2a: {  	p0 =	seq.s32 s5, $0x0;
	s5 =	sld [smem:$0x3FAE]  }
0x2b: {  	s6 =	sld [smem:$0x3FAF]  }
0x2c: {  	s7 =	sld [smem:$0x3FB0]  }
0x2d: {  	s3 =	simm.s32 $0x108;
	s8 =	sld [smem:$0x3FB1]  }
0x2e: {  	s3 =	simm.s32 @!p0 $0x1082;
	s9 =	sld [smem:$0x3FB2]  }
0x2f: {  	lr =	sadd.s32 s0, s3;
	s0 =	sld [smem:$0x3FA9]  }
0x30: {  	s3 =	sld [smem:$0x3FAC]  }
0x31: {  	[smem:$0x3FB5] =	sst s10  }
0x32: {  	s10 =	sld [smem:$0x3FB3];
	_ =	sdelay $0x3  }
0x33: {  	p0 =	seq.s32 s10, $0x1;
	s10 =	sld [smem:$0x3FB5];
	_ =	sdelay $0x3  }
0x34: {  	[smem:$0x3FB5] =	sst s10  }
0x35: {  	s10 =	sld [smem:$0x3FB4];
	_ =	sdelay $0x3  }
0x36: {  	p1 =	seq.s32 s10, $0x1;
	s10 =	sld [smem:$0x3FB5];
	_ =	sdelay $0x3  }
0x37: {  	[smem:$0x3FB5] =	sst s10  }
0x38: {  	s10 =	sld [smem:$0x3FB6]  }
0x39: {  	_ = 	snop;
	(pc) =	sbr.ind lr, $3  }
0x3a: {  	_ = 	snop  }
0x3b: {  	_ = 	snop  }
0x3c: {  	p2 =	seq.s32 s10, $0x1;
	s10 =	sld [smem:$0x3FB5]  }
0x3d: {  	_ =	shalt  }
0x3e: {  	_ =	shalt  }
0x3f: {  	_ =	shalt  }
0x40: {  	_ =	shalt  }
0x41: {  	_ =	shalt  }
0x42: {  	_ =	shalt  }
0x43: {  	_ =	shalt  }
0x44: {  	_ =	shalt  }
0x45: {  	_ =	shalt  }
0x46: {  	_ =	shalt  }
0x47: {  	_ =	shalt  }
0x48: {  	_ =	shalt  }
0x49: {  	_ =	shalt  }
0x4a: {  	_ =	shalt  }
0x4b: {  	_ =	shalt  }
0x4c: {  	_ =	shalt  }
0x4d: {  	_ =	shalt  }
0x4e: {  	_ =	shalt  }
0x4f: {  	_ =	shalt  }
0x50: {  	_ =	shalt  }
0x51: {  	_ =	shalt  }
0x52: {  	_ =	shalt  }
0x53: {  	_ =	shalt  }
0x54: {  	_ =	shalt  }
0x55: {  	_ =	shalt  }
0x56: {  	_ =	shalt  }
0x57: {  	_ =	shalt  }
0x58: {  	_ =	shalt  }
0x59: {  	_ =	shalt  }
0x5a: {  	_ =	shalt  }
0x5b: {  	_ =	shalt  }
0x5c: {  	_ =	shalt  }
0x5d: {  	_ =	shalt  }
0x5e: {  	_ =	shalt  }
0x5f: {  	_ =	shalt  }
0x60: {  	_ =	shalt  }
0x61: {  	_ =	shalt  }
0x62: {  	_ =	shalt  }
0x63: {  	_ =	shalt  }
0x64: {  	_ =	shalt  }
0x65: {  	_ =	shalt  }
0x66: {  	_ =	shalt  }
0x67: {  	_ =	shalt  }
0x68: {  	_ =	shalt  }
0x69: {  	_ =	shalt  }
0x6a: {  	_ =	shalt  }
0x6b: {  	_ =	shalt  }
0x6c: {  	_ =	shalt  }
0x6d: {  	_ =	shalt  }
0x6e: {  	_ =	shalt  }
0x6f: {  	_ =	shalt  }
0x70: {  	_ =	shalt  }
0x71: {  	_ =	shalt  }
0x72: {  	_ =	shalt  }
0x73: {  	_ =	shalt  }
0x74: {  	_ =	shalt  }
0x75: {  	_ =	shalt  }
0x76: {  	_ =	shalt  }
0x77: {  	_ =	shalt  }
0x78: {  	_ =	shalt  }
0x79: {  	_ =	shalt  }
0x7a: {  	_ =	shalt  }
0x7b: {  	_ =	shalt  }
0x7c: {  	_ =	shalt  }
0x7d: {  	_ =	shalt  }
0x7e: {  	_ =	shalt  }
0x7f: {  	_ =	shalt  }
0x80: {  	_ =	shalt  }
0x81: {  	_ =	shalt  }
0x82: {  	_ =	shalt  }
0x83: {  	_ =	shalt  }
0x84: {  	_ =	shalt  }
0x85: {  	_ =	shalt  }
0x86: {  	_ =	shalt  }
0x87: {  	_ =	shalt  }
.Lfunc_end0:
.L_simem_size_0:
called_computation_lowered:
.L_overlay_start_0:
0x88: {  	s2 =	sld [smem:$0x3FD9]  }
0x89: {  	s3 =	sld [smem:$0x3FFE];
	_ =	sdelay $0x1  }
0x8a: {  	s1 =	srdreg.scid  }
0x8b: {  	s0 =	sand.u32 $0x1, s1  }
0x8c: {  	s28 =	sshll.u32 s0, $0xA;
	s2 =	sadd.s32 s3, s2  }
0x8d: {  	s2 =	sadd.s32 s2, s28  }
0x8e: {  	[smem:$0x3FC1] =	sst s2  }
0x8f: {  	_ = 	snop  }
0x90: {  	s2 =	sld [smem:$0x3FC9]  }
0x91: {  	s3 =	sld [smem:$0x3FC8]  }
0x92: {  	s4 =	sld [smem:$0x3FC7]  }
0x93: {  	s5 =	sld [smem:$0x3FC6]  }
0x94: {  	s6 =	sld [smem:$0x3FD0]  }
0x95: {  	s7 =	sld [smem:$0x3FC5]  }
0x96: {  	s8 =	sld [smem:$0x3FC4]  }
0x97: {  	s10 =	simm.s32 $0xA;
	s11 =	simm.s32 $0x10;
	s9 =	sld [smem:$0x3FC3]  }
0x98: {  	[smem:s11], [sflag:s10] =	dma.local [hbm:s6], $0x1  }
0x99: {  	_ =	swait.eq [sflag:s10], $0x1  }
0x9a: {  	s29 =	sld [smem:$0x10]  }
0x9b: {  	s30 =	sld [smem:$0x11]  }
0x9c: {  	s12 =	sld [smem:$0x12]  }
0x9d: {  	s13 =	sld [smem:$0x13];
	[sflag:s10] =	ssyncset.done $0x0  }
0x9e: {  	s14 =	sld [smem:$0x14];
	[sflag:s10] =	ssyncadd.s32 $0xFFFFFFFF  }
0x9f: {  	s31 =	sld [smem:$0x15];
	(tm) =	ssettm $0x1  }
0xa0: {  	s15 =	sld [smem:$0x3FFB];
	_ =	sdelay $0x3  }
0xa1: {  	_ =	strace s15  }
0xa2: {  	s15 =	sld [smem:$0x3FFC];
	_ =	sdelay $0x3  }
0xa3: {  	_ =	strace s15  }
0xa4: {  	s15 =	sld [smem:$0x3FFD];
	_ =	sdelay $0x3  }
0xa5: {  	_ =	strace s15  }
0xa6: {  	_ =	strace $0x8FFFFFFF  }
0xa7: {  	s20 =	sld [smem:$0x3FDB];
	_ =	sdelay $0x1  }
0xa8: {  	s16 =	simm.s32 $_scs_section_size  }
0xa9: {  	s17 =	simm.s32 $_size__tile_overlayer_lowered;
	s18 =	simm.s32 $_tile_overlayer_lowered  }
0xaa: {  	s23 =	simm.s32 $0x1BFF;
	s22 =	sshll.u32 s18, $0x1;
	s15 =	sadd.s32 s16, s20  }
0xab: {  	s19 =	simm.s32 $0x0;
	s21 =	sshll.u32 s17, $0x1;
	s17 =	sadd.s32 s22, s15  }
0xac: {  	[timem:s19], [sflag:s23] =	dma.local [hbm:s17], s21  }
0xad: {  	_ =	swait.ge [sflag:s23], s21  }
0xae: {  	s16 =	ssub.s32 $0x0, s21;
	[sflag:s23] =	ssyncset.done $0x0  }
0xaf: {  	[sflag:s23] =	ssyncadd.s32 s16;
	_ =	sdelay $0x1  }
0xb0: {  	s24 =	simm.s32 $0x1B8B  }
0xb1: {  	_ =	swait.ge [sflag:s24], $0x1  }
0xb2: {  	[sflag:s24] =	ssyncset.done $0x0  }
0xb3: {  	s25 =	simm.s32 $0x1B8E;
	[sflag:s24] =	ssyncadd.s32 $0xFFFFFFFF  }
0xb4: {  	s26 =	simm.s32 $execute0_lowered;
	[smem:$0x3FD2] =	sst s25  }
0xb5: {  	s16 =	sshll.u32 s26, $0x1;
	_ =	strace $0x80000046;
	[dreg:$0x1] =	wrdreg $0xFFFFFFFF  }
0xb6: {  	s28 =	simm.s32 $_size_execute0_lowered;
	s15 =	sadd.s32 s15, s16;
	[dreg:$0x0] =	wrdreg $0x0  }
0xb7: {  	s16 =	sshll.u32 s28, $0x1;
	[dreg:$0x2] =	wrdreg s15  }
0xb8: {  	[dreg:$0x3] =	wrdreg s16  }
0xb9: {  	[dreg:$0x4] =	wrdreg $0xC0  }
0xba: {  	_ =	task [dreg:s19], $0x5FFFF  }
0xbb: {  	[dreg:$0x1] =	wrdreg $0xFFFFFFFF  }
0xbc: {  	[dreg:$0x0] =	wrdreg $0x60  }
0xbd: {  	[dreg:$0x2] =	wrdreg s2  }
0xbe: {  	[dreg:$0x3] =	wrdreg s3  }
0xbf: {  	[dreg:$0x4] =	wrdreg s4  }
0xc0: {  	[dreg:$0x5] =	wrdreg s5  }
0xc1: {  	[dreg:$0x6] =	wrdreg s7  }
0xc2: {  	[dreg:$0x7] =	wrdreg s8  }
0xc3: {  	[dreg:$0x8] =	wrdreg s9  }
0xc4: {  	[dreg:$0x9] =	wrdreg s29  }
0xc5: {  	[dreg:$0xa] =	wrdreg s30  }
0xc6: {  	[dreg:$0xb] =	wrdreg s12  }
0xc7: {  	[dreg:$0xc] =	wrdreg s13  }
0xc8: {  	[dreg:$0xd] =	wrdreg s14  }
0xc9: {  	[dreg:$0xe] =	wrdreg s31  }
0xca: {  	[dreg:$0xf] =	wrdreg $0x9  }
0xcb: {  	_ =	task.clear_ibuf [dreg:s19], $0x10FFFF;
	_ =	strace $0x90000046  }
0xcc: {  	s29 =	simm.s32 $0x9;
	_ =	strace $0x80000048  }
0xcd: {  	_ =	swait.ge [sflag:s29], $0x1  }
0xce: {  	[sflag:s29] =	ssyncadd.s32 $0xFFFFFFFF  }
0xcf: {  	_ =	strace $0x90000048  }
0xd0: {  	_ =	sfence  }
0xd1: {  	s30 =	sld [smem:$0x0];
	_ =	sdelay $0x2  }
0xd2: {  	s31 =	sshll.u32 s1, $0xD;
	s1 =	sshrl.u32 s1, $0x2  }
0xd3: {  	s3 =	sand.u32 $0x4000, s31;
	s1 =	sadd.s32 s1, s30  }
0xd4: {  	s0 =	sor.u32 s3, s0;
	s1 =	sshll.u32 s1, $0x11  }
0xd5: {  	s0 =	sor.u32 s1, s0  }
0xd6: {  	s0 =	sadd.s32 $0x8F2B, s0  }
0xd7: {  	[sflag:s0] =	ssyncadd.remote.s32 $0x1  }
0xd8: {  	_ =	sfence.sel $0xFFFF  }
0xd9: {  	[dreg:$0x0] =	wrdreg $0xFFFFFFFF;
	(pc) =	sbr.abs _section_cstart, $3  }
0xda: {  	[dreg:$0x1] =	wrdreg $0xFFFFFFFF  }
0xdb: {  	_ =	task.clear_ibuf [dreg:s19], $0x2FFFF;
	_ =	strace $0x9FFFFFFF  }
0xdc: {  	(tm) =	ssettm $0x7FFFFFFF  }
0xdd: {  	_ =	shalt  }
tec
execute0_lowered:
.L_overlay_start_1:
0x0: {  	(tag) =	ssettag $0x1  }
0x1: {  	s0 =	rddreg [dreg:$0x0]  }
0x2: {  	s6 =	rddreg [dreg:$0x1]  }
0x3: {  	s7 =	rddreg [dreg:$0x2]  }
0x4: {  	s26 =	rddreg [dreg:$0x3]  }
0x5: {  	s4 =	rddreg [dreg:$0x4]  }
0x6: {  	s22 =	rddreg [dreg:$0x5]  }
0x7: {  	s2 =	rddreg [dreg:$0x6]  }
0x8: {  	s8 =	rddreg [dreg:$0x7]  }
0x9: {  	s9 =	rddreg [dreg:$0x8];
	s3 =	srdreg.scid  }
0xa: {  	s1 =	rddreg [dreg:$0x9];
	s13 =	stileid.u32;
	s12 =	sand.u32 $0x1, s3  }
0xb: {  	s10 =	rddreg [dreg:$0xa];
	s13 =	sshll.u32 s13, $0xA;
	s14 =	sshll.u32 s12, $0x9  }
0xc: {  	s11 =	rddreg [dreg:$0xb];
	s13 =	sor.u32 s14, s13  }
0xd: {  	s5 =	rddreg [dreg:$0xc];
	s3 =	simm.s32 $0x0;
	s14 =	sshrl.u32 s13, $0x3  }
0xe: {  	[smem:$0x7FF] =	sst s3;
	s0 =	sadd.s32 s0, s14  }
0xf: {  	_ =	strace $0x80000047;
	s6 =	sadd.s32 s6, s14;
	[dreg:$0xe] =	wrdreg s0  }
0x10: {  	s14 =	sadd.s32 s7, s14;
	[dreg:$0xf] =	wrdreg s6  }
0x11: {  	s6 =	sshll.u32 s13, $0x4;
	[dreg:$0x10] =	wrdreg s14  }
0x12: {  	s15 =	sadd.s32 s8, s6;
	s0 =	rddreg [dreg:$0xe]  }
0x13: {  	s19 =	sadd.s32 s10, s6;
	[dreg:$0x11] =	wrdreg s15  }
0x14: {  	s7 =	sor.u32 $0x800, s6;
	s24 =	sadd.s32 s9, s6;
	[dreg:$0x15] =	wrdreg s19  }
0x15: {  	s13 =	sor.u32 $0x1000, s6;
	s16 =	sadd.s32 s8, s7;
	[dreg:$0x19] =	wrdreg s24  }
0x16: {  	s14 =	sor.u32 $0x1800, s6;
	s17 =	sadd.s32 s8, s13;
	[dreg:$0x12] =	wrdreg s16  }
0x17: {  	s18 =	sadd.s32 s8, s14;
	[dreg:$0x13] =	wrdreg s17  }
0x18: {  	s31 =	simm.s32 $0x5;
	s20 =	sadd.s32 s10, s7;
	[dreg:$0x14] =	wrdreg s18  }
0x19: {  	s30 =	simm.s32 $0x100;
	s21 =	sadd.s32 s10, s13;
	[dreg:$0x16] =	wrdreg s20  }
0x1a: {  	s29 =	simm.s32 $0x180;
	s23 =	sadd.s32 s10, s14;
	[dreg:$0x17] =	wrdreg s21  }
0x1b: {  	p0 =	por $0x0, $0x0;
	s25 =	sadd.s32 s9, s7;
	[dreg:$0x18] =	wrdreg s23  }
0x1c: {  	s28 =	simm.s32 $0x280;
	s8 =	sadd.s32 s9, s13;
	[dreg:$0x1a] =	wrdreg s25  }
0x1d: {  	s10 =	sadd.s32 s9, s14;
	s15 =	sadd.s32 s11, s6;
	[dreg:$0x1b] =	wrdreg s8  }
0x1e: {  	s19 =	sadd.s32 s11, s14;
	s9 =	simm.s32 $0x4600;
	[dreg:$0x1c] =	wrdreg s10  }
0x1f: {  	[dreg:$0x1d] =	wrdreg s15;
	s16 =	sadd.s32 s11, s7;
	s17 =	sadd.s32 s11, s13  }
0x20: {  	s18 =	ssub.s32 $0x2, s12;
	[smem:$0x7FB] =	sst s19;
	s21 =	sadd.s32 s1, s6  }
0x21: {  	s23 =	sadd.s32 s1, s7;
	s15 =	sadd.s32 s5, s6;
	s10 =	sadd.s32 s5, s7  }
0x22: {  	s6 =	sadd.s32 s5, s13;
	s5 =	sadd.s32 s5, s14;
	s20 =	sshrl.u32 s18, $0x1  }
0x23: {  	s25 =	simm.s32 $0x200;
	s19 =	simm.s32 $0x400;
	s8 =	ssub.s32 s18, s20  }
0x24: {  	s11 =	simm.s32 $0x80;
	[dreg:$0x1e] =	wrdreg s16;
	s24 =	smax.u32 s8, $0x1  }
0x25: {  	s12 =	simm.s32 $0x600;
	[dreg:$0x1f] =	wrdreg s17;
	p1 =	sne.s32 s24, $0x1  }
.Ltmp0:
0x26: {  	s7 =	simm.s32 $0x4;
	[smem:$0x7FC] =	sst s21;
	(pc) =	sbr.rel @!p1 .LBB2_3-.Ltmp0, $4  }
0x27: {  	[smem:$0x7FD] =	sst s23;
	s16 =	sadd.s32 s1, s14;
	s14 =	simm.s32 $0x1  }
0x28: {  	s23 =	simm.s32 $0x380;
	s21 =	simm.s32 $0x480;
	s17 =	simm.s32 $0x580  }
0x29: {  	s18 =	sadd.s32 s1, s13;
	s13 =	simm.s32 $0x2;
	s20 =	simm.s32 $0x500  }
0x2a: {  	s8 =	simm.s32 $0x3;
	s1 =	sadd.s32 $0xFFFFFFFF, s24;
	s24 =	simm.s32 $0x300  }
0x2b: {  	[tilespmem:s3], [sflag:$0x5] =	stream.linear.gather [hbm4b:s0+s3], $0x200, $0x38;
	[tilespmem:$0x8600] =	vst v63  }
0x2c: {  	_ =	swait.ge [sflag:s31], $0x200  }
0x2d: {  	[sflag:s31] =	ssyncset.done $0x0  }
0x2e: {  	s0 =	rddreg [dreg:$0xf];
	[sflag:s31] =	ssyncadd.s32 $0xFFFFFE00  }
0x2f: {  	[tilespmem:s25], [sflag:$0x5] =	stream.linear.gather [hbm4b:s0+s3], $0x200, $0x38;
	[tilespmem:$0x8600] =	vst v63  }
0x30: {  	_ =	swait.ge [sflag:s31], $0x200  }
0x31: {  	[sflag:s31] =	ssyncset.done $0x0  }
0x32: {  	s0 =	rddreg [dreg:$0x10];
	[sflag:s31] =	ssyncadd.s32 $0xFFFFFE00  }
0x33: {  	[tilespmem:s19], [sflag:$0x5] =	stream.linear.gather [hbm4b:s0+s3], $0x200, $0x38;
	[tilespmem:$0x8600] =	vst v63  }
0x34: {  	_ =	swait.ge [sflag:s31], $0x200  }
0x35: {  	[sflag:s31] =	ssyncset.done $0x0  }
0x36: {  	[sflag:s31] =	ssyncadd.s32 $0xFFFFFE00  }
0x37: {  	[tilespmem:s12], [sflag:$0x1] =	stream.indirect.gather [hbm4b:s26+s11], $0x80, s3, s11, $0xb8;
	[tilespmem:$0x8600] =	vst v63  }
0x38: {  	_ =	swait.ge [sflag:s14], $0x4000  }
0x39: {  	[sflag:s14] =	ssyncset.done $0x0  }
0x3a: {  	[sflag:s14] =	ssyncadd.s32 $0xFFFFC000  }
0x3b: {  	[tilespmem:s9], [sflag:$0x2] =	stream.indirect.gather [hbm4b:s26+s11], $0x80, s11, s11, $0xb8;
	[tilespmem:$0x8600] =	vst v63  }
0x3c: {  	s0 =	rddreg [dreg:$0x11]  }
0x3d: {  	[hbm4b:s0+s3] =	stream.linear.scatter [tilespmem:s12], [sflag:$0x3], $0x4000, $0x38;
	[tilespmem:$0x8600] =	vst v63  }
0x3e: {  	_ =	swait.ge [sflag:s13], $0x4000  }
0x3f: {  	[sflag:s13] =	ssyncset.done $0x0  }
0x40: {  	[sflag:s13] =	ssyncadd.s32 $0xFFFFC000  }
0x41: {  	_ =	swait.ge [sflag:s8], $0x4000  }
0x42: {  	[sflag:s8] =	ssyncset.done $0x0  }
0x43: {  	[sflag:s8] =	ssyncadd.s32 $0xFFFFC000  }
0x44: {  	[tilespmem:s12], [sflag:$0x1] =	stream.indirect.gather [hbm4b:s26+s11], $0x80, s30, s11, $0xb8;
	[tilespmem:$0x8600] =	vst v63  }
0x45: {  	s0 =	rddreg [dreg:$0x12]  }
0x46: {  	[hbm4b:s0+s3] =	stream.linear.scatter [tilespmem:s9], [sflag:$0x4], $0x4000, $0x38;
	[tilespmem:$0x8600] =	vst v63  }
0x47: {  	_ =	swait.ge [sflag:s14], $0x4000  }
0x48: {  	[sflag:s14] =	ssyncset.done $0x0  }
0x49: {  	[sflag:s14] =	ssyncadd.s32 $0xFFFFC000  }
0x4a: {  	_ =	swait.ge [sflag:s7], $0x4000  }
0x4b: {  	[sflag:s7] =	ssyncset.done $0x0  }
0x4c: {  	[sflag:s7] =	ssyncadd.s32 $0xFFFFC000  }
0x4d: {  	[tilespmem:s9], [sflag:$0x2] =	stream.indirect.gather [hbm4b:s26+s11], $0x80, s29, s11, $0xb8;
	[tilespmem:$0x8600] =	vst v63  }
0x4e: {  	s0 =	rddreg [dreg:$0x13]  }
0x4f: {  	[hbm4b:s0+s3] =	stream.linear.scatter [tilespmem:s12], [sflag:$0x3], $0x4000, $0x38;
	[tilespmem:$0x8600] =	vst v63  }
0x50: {  	_ =	swait.ge [sflag:s13], $0x4000  }
0x51: {  	[sflag:s13] =	ssyncset.done $0x0  }
0x52: {  	[sflag:s13] =	ssyncadd.s32 $0xFFFFC000  }
0x53: {  	_ =	swait.ge [sflag:s8], $0x4000  }
0x54: {  	[sflag:s8] =	ssyncset.done $0x0  }
0x55: {  	[sflag:s8] =	ssyncadd.s32 $0xFFFFC000  }
0x56: {  	[tilespmem:s12], [sflag:$0x1] =	stream.indirect.gather [hbm4b:s22+s11], $0x80, s3, s11, $0xb8;
	[tilespmem:$0x8600] =	vst v63  }
0x57: {  	s0 =	rddreg [dreg:$0x14]  }
0x58: {  	[hbm4b:s0+s3] =	stream.linear.scatter [tilespmem:s9], [sflag:$0x4], $0x4000, $0x38;
	[tilespmem:$0x8600] =	vst v63  }
0x59: {  	_ =	swait.ge [sflag:s14], $0x4000  }
0x5a: {  	[sflag:s14] =	ssyncset.done $0x0  }
0x5b: {  	[sflag:s14] =	ssyncadd.s32 $0xFFFFC000  }
0x5c: {  	_ =	swait.ge [sflag:s7], $0x4000  }
0x5d: {  	[sflag:s7] =	ssyncset.done $0x0  }
0x5e: {  	[sflag:s7] =	ssyncadd.s32 $0xFFFFC000  }
0x5f: {  	[tilespmem:s9], [sflag:$0x2] =	stream.indirect.gather [hbm4b:s22+s11], $0x80, s11, s11, $0xb8;
	[tilespmem:$0x8600] =	vst v63  }
0x60: {  	s0 =	rddreg [dreg:$0x15]  }
0x61: {  	[hbm4b:s0+s3] =	stream.linear.scatter [tilespmem:s12], [sflag:$0x3], $0x4000, $0x38;
	[tilespmem:$0x8600] =	vst v63  }
0x62: {  	_ =	swait.ge [sflag:s13], $0x4000  }
0x63: {  	[sflag:s13] =	ssyncset.done $0x0  }
0x64: {  	[sflag:s13] =	ssyncadd.s32 $0xFFFFC000  }
0x65: {  	_ =	swait.ge [sflag:s8], $0x4000  }
0x66: {  	[sflag:s8] =	ssyncset.done $0x0  }
0x67: {  	[sflag:s8] =	ssyncadd.s32 $0xFFFFC000  }
0x68: {  	[tilespmem:s12], [sflag:$0x1] =	stream.indirect.gather [hbm4b:s22+s11], $0x80, s30, s11, $0xb8;
	[tilespmem:$0x8600] =	vst v63  }
0x69: {  	s0 =	rddreg [dreg:$0x16]  }
0x6a: {  	[hbm4b:s0+s3] =	stream.linear.scatter [tilespmem:s9], [sflag:$0x4], $0x4000, $0x38;
	[tilespmem:$0x8600] =	vst v63  }
0x6b: {  	_ =	swait.ge [sflag:s14], $0x4000  }
0x6c: {  	[sflag:s14] =	ssyncset.done $0x0  }
0x6d: {  	[sflag:s14] =	ssyncadd.s32 $0xFFFFC000  }
0x6e: {  	_ =	swait.ge [sflag:s7], $0x4000  }
0x6f: {  	[sflag:s7] =	ssyncset.done $0x0  }
0x70: {  	[sflag:s7] =	ssyncadd.s32 $0xFFFFC000  }
0x71: {  	[tilespmem:s9], [sflag:$0x2] =	stream.indirect.gather [hbm4b:s22+s11], $0x80, s29, s11, $0xb8;
	[tilespmem:$0x8600] =	vst v63  }
0x72: {  	s0 =	rddreg [dreg:$0x17]  }
0x73: {  	[hbm4b:s0+s3] =	stream.linear.scatter [tilespmem:s12], [sflag:$0x3], $0x4000, $0x38;
	[tilespmem:$0x8600] =	vst v63  }
0x74: {  	_ =	swait.ge [sflag:s13], $0x4000  }
0x75: {  	[sflag:s13] =	ssyncset.done $0x0  }
0x76: {  	[sflag:s13] =	ssyncadd.s32 $0xFFFFC000  }
0x77: {  	_ =	swait.ge [sflag:s8], $0x4000  }
0x78: {  	[sflag:s8] =	ssyncset.done $0x0  }
0x79: {  	[sflag:s8] =	ssyncadd.s32 $0xFFFFC000  }
0x7a: {  	[tilespmem:s12], [sflag:$0x1] =	stream.indirect.gather [hbm4b:s4+s11], $0x80, s25, s11, $0xb8;
	[tilespmem:$0x8600] =	vst v63  }
0x7b: {  	s0 =	rddreg [dreg:$0x18]  }
0x7c: {  	[hbm4b:s0+s3] =	stream.linear.scatter [tilespmem:s9], [sflag:$0x4], $0x4000, $0x38;
	[tilespmem:$0x8600] =	vst v63  }
0x7d: {  	_ =	swait.ge [sflag:s14], $0x4000  }
0x7e: {  	[sflag:s14] =	ssyncset.done $0x0  }
0x7f: {  	[sflag:s14] =	ssyncadd.s32 $0xFFFFC000  }
0x80: {  	_ =	swait.ge [sflag:s7], $0x4000  }
0x81: {  	[sflag:s7] =	ssyncset.done $0x0  }
0x82: {  	[sflag:s7] =	ssyncadd.s32 $0xFFFFC000  }
0x83: {  	[tilespmem:s9], [sflag:$0x2] =	stream.indirect.gather [hbm4b:s4+s11], $0x80, s28, s11, $0xb8;
	[tilespmem:$0x8600] =	vst v63  }
0x84: {  	s0 =	rddreg [dreg:$0x19]  }
0x85: {  	[hbm4b:s0+s3] =	stream.linear.scatter [tilespmem:s12], [sflag:$0x3], $0x4000, $0x38;
	[tilespmem:$0x8600] =	vst v63  }
0x86: {  	_ =	swait.ge [sflag:s13], $0x4000  }
0x87: {  	[sflag:s13] =	ssyncset.done $0x0  }
0x88: {  	[sflag:s13] =	ssyncadd.s32 $0xFFFFC000  }
0x89: {  	_ =	swait.ge [sflag:s8], $0x4000  }
0x8a: {  	[sflag:s8] =	ssyncset.done $0x0  }
0x8b: {  	[sflag:s8] =	ssyncadd.s32 $0xFFFFC000  }
0x8c: {  	[tilespmem:s12], [sflag:$0x1] =	stream.indirect.gather [hbm4b:s4+s11], $0x80, s24, s11, $0xb8;
	[tilespmem:$0x8600] =	vst v63  }
0x8d: {  	s0 =	rddreg [dreg:$0x1a]  }
0x8e: {  	[hbm4b:s0+s3] =	stream.linear.scatter [tilespmem:s9], [sflag:$0x4], $0x4000, $0x38;
	[tilespmem:$0x8600] =	vst v63  }
0x8f: {  	_ =	swait.ge [sflag:s14], $0x4000  }
0x90: {  	[sflag:s14] =	ssyncset.done $0x0  }
0x91: {  	[sflag:s14] =	ssyncadd.s32 $0xFFFFC000  }
0x92: {  	_ =	swait.ge [sflag:s7], $0x4000  }
0x93: {  	[sflag:s7] =	ssyncset.done $0x0  }
0x94: {  	[sflag:s7] =	ssyncadd.s32 $0xFFFFC000  }
0x95: {  	[tilespmem:s9], [sflag:$0x2] =	stream.indirect.gather [hbm4b:s4+s11], $0x80, s23, s11, $0xb8;
	[tilespmem:$0x8600] =	vst v63  }
0x96: {  	s0 =	rddreg [dreg:$0x1b]  }
0x97: {  	[hbm4b:s0+s3] =	stream.linear.scatter [tilespmem:s12], [sflag:$0x3], $0x4000, $0x38;
	[tilespmem:$0x8600] =	vst v63  }
0x98: {  	_ =	swait.ge [sflag:s13], $0x4000  }
0x99: {  	[sflag:s13] =	ssyncset.done $0x0  }
0x9a: {  	[sflag:s13] =	ssyncadd.s32 $0xFFFFC000  }
0x9b: {  	_ =	swait.ge [sflag:s8], $0x4000  }
0x9c: {  	[sflag:s8] =	ssyncset.done $0x0  }
0x9d: {  	[sflag:s8] =	ssyncadd.s32 $0xFFFFC000  }
0x9e: {  	[tilespmem:s12], [sflag:$0x1] =	stream.indirect.gather [hbm4b:s2+s11], $0x80, s25, s11, $0xb8;
	[tilespmem:$0x8600] =	vst v63  }
0x9f: {  	s0 =	rddreg [dreg:$0x1c]  }
0xa0: {  	[hbm4b:s0+s3] =	stream.linear.scatter [tilespmem:s9], [sflag:$0x4], $0x4000, $0x38;
	[tilespmem:$0x8600] =	vst v63  }
0xa1: {  	_ =	swait.ge [sflag:s14], $0x4000  }
0xa2: {  	[sflag:s14] =	ssyncset.done $0x0  }
0xa3: {  	[sflag:s14] =	ssyncadd.s32 $0xFFFFC000  }
0xa4: {  	_ =	swait.ge [sflag:s7], $0x4000  }
0xa5: {  	[sflag:s7] =	ssyncset.done $0x0  }
0xa6: {  	[sflag:s7] =	ssyncadd.s32 $0xFFFFC000  }
0xa7: {  	[tilespmem:s9], [sflag:$0x2] =	stream.indirect.gather [hbm4b:s2+s11], $0x80, s28, s11, $0xb8;
	[tilespmem:$0x8600] =	vst v63  }
0xa8: {  	s0 =	rddreg [dreg:$0x1d]  }
0xa9: {  	[hbm4b:s0+s3] =	stream.linear.scatter [tilespmem:s12], [sflag:$0x3], $0x4000, $0x38;
	[tilespmem:$0x8600] =	vst v63  }
0xaa: {  	_ =	swait.ge [sflag:s13], $0x4000  }
0xab: {  	[sflag:s13] =	ssyncset.done $0x0  }
0xac: {  	[sflag:s13] =	ssyncadd.s32 $0xFFFFC000  }
0xad: {  	_ =	swait.ge [sflag:s8], $0x4000  }
0xae: {  	[sflag:s8] =	ssyncset.done $0x0  }
0xaf: {  	[sflag:s8] =	ssyncadd.s32 $0xFFFFC000  }
0xb0: {  	[tilespmem:s12], [sflag:$0x1] =	stream.indirect.gather [hbm4b:s2+s11], $0x80, s24, s11, $0xb8;
	[tilespmem:$0x8600] =	vst v63  }
0xb1: {  	s0 =	rddreg [dreg:$0x1e]  }
0xb2: {  	[hbm4b:s0+s3] =	stream.linear.scatter [tilespmem:s9], [sflag:$0x4], $0x4000, $0x38;
	[tilespmem:$0x8600] =	vst v63  }
0xb3: {  	_ =	swait.ge [sflag:s14], $0x4000  }
0xb4: {  	[sflag:s14] =	ssyncset.done $0x0  }
0xb5: {  	[sflag:s14] =	ssyncadd.s32 $0xFFFFC000  }
0xb6: {  	_ =	swait.ge [sflag:s7], $0x4000  }
0xb7: {  	[sflag:s7] =	ssyncset.done $0x0  }
0xb8: {  	[sflag:s7] =	ssyncadd.s32 $0xFFFFC000  }
0xb9: {  	[tilespmem:s9], [sflag:$0x2] =	stream.indirect.gather [hbm4b:s2+s11], $0x80, s23, s11, $0xb8;
	[tilespmem:$0x8600] =	vst v63  }
0xba: {  	s0 =	rddreg [dreg:$0x1f]  }
0xbb: {  	[hbm4b:s0+s3] =	stream.linear.scatter [tilespmem:s12], [sflag:$0x3], $0x4000, $0x38;
	[tilespmem:$0x8600] =	vst v63  }
0xbc: {  	_ =	swait.ge [sflag:s13], $0x4000  }
0xbd: {  	[sflag:s13] =	ssyncset.done $0x0  }
0xbe: {  	[sflag:s13] =	ssyncadd.s32 $0xFFFFC000  }
0xbf: {  	_ =	swait.ge [sflag:s8], $0x4000  }
0xc0: {  	[sflag:s8] =	ssyncset.done $0x0  }
0xc1: {  	s0 =	sld [smem:$0x7FB];
	[sflag:s8] =	ssyncadd.s32 $0xFFFFC000  }
0xc2: {  	[tilespmem:s12], [sflag:$0x1] =	stream.indirect.gather [hbm4b:s4+s11], $0x80, s19, s11, $0xb8;
	[tilespmem:$0x8600] =	vst v63  }
0xc3: {  	_ = 	snop  }
0xc4: {  	[hbm4b:s0+s3] =	stream.linear.scatter [tilespmem:s9], [sflag:$0x4], $0x4000, $0x38;
	[tilespmem:$0x8600] =	vst v63  }
0xc5: {  	_ =	swait.ge [sflag:s14], $0x4000  }
0xc6: {  	[sflag:s14] =	ssyncset.done $0x0  }
0xc7: {  	[sflag:s14] =	ssyncadd.s32 $0xFFFFC000  }
0xc8: {  	_ =	swait.ge [sflag:s7], $0x4000  }
0xc9: {  	[sflag:s7] =	ssyncset.done $0x0  }
0xca: {  	s0 =	sld [smem:$0x7FC];
	[sflag:s7] =	ssyncadd.s32 $0xFFFFC000  }
0xcb: {  	[tilespmem:s9], [sflag:$0x2] =	stream.indirect.gather [hbm4b:s4+s11], $0x80, s21, s11, $0xb8;
	[tilespmem:$0x8600] =	vst v63  }
0xcc: {  	_ = 	snop  }
0xcd: {  	[hbm4b:s0+s3] =	stream.linear.scatter [tilespmem:s12], [sflag:$0x3], $0x4000, $0x38;
	[tilespmem:$0x8600] =	vst v63  }
0xce: {  	_ =	swait.ge [sflag:s13], $0x4000  }
0xcf: {  	[sflag:s13] =	ssyncset.done $0x0  }
0xd0: {  	[sflag:s13] =	ssyncadd.s32 $0xFFFFC000  }
0xd1: {  	_ =	swait.ge [sflag:s8], $0x4000  }
0xd2: {  	[sflag:s8] =	ssyncset.done $0x0  }
0xd3: {  	s0 =	sld [smem:$0x7FD];
	[sflag:s8] =	ssyncadd.s32 $0xFFFFC000  }
0xd4: {  	[tilespmem:s12], [sflag:$0x1] =	stream.indirect.gather [hbm4b:s4+s11], $0x80, s20, s11, $0xb8;
	[tilespmem:$0x8600] =	vst v63  }
0xd5: {  	_ = 	snop  }
0xd6: {  	[hbm4b:s0+s3] =	stream.linear.scatter [tilespmem:s9], [sflag:$0x4], $0x4000, $0x38;
	[tilespmem:$0x8600] =	vst v63  }
0xd7: {  	_ =	swait.ge [sflag:s14], $0x4000  }
0xd8: {  	[sflag:s14] =	ssyncset.done $0x0  }
0xd9: {  	[sflag:s14] =	ssyncadd.s32 $0xFFFFC000  }
0xda: {  	_ =	swait.ge [sflag:s7], $0x4000  }
0xdb: {  	[sflag:s7] =	ssyncset.done $0x0  }
0xdc: {  	[sflag:s7] =	ssyncadd.s32 $0xFFFFC000  }
0xdd: {  	[tilespmem:s9], [sflag:$0x2] =	stream.indirect.gather [hbm4b:s4+s11], $0x80, s17, s11, $0xb8;
	[tilespmem:$0x8600] =	vst v63  }
0xde: {  	_ = 	snop  }
0xdf: {  	[hbm4b:s18+s3] =	stream.linear.scatter [tilespmem:s12], [sflag:$0x3], $0x4000, $0x38;
	[tilespmem:$0x8600] =	vst v63  }
0xe0: {  	_ =	swait.ge [sflag:s13], $0x4000  }
0xe1: {  	[sflag:s13] =	ssyncset.done $0x0  }
0xe2: {  	[sflag:s13] =	ssyncadd.s32 $0xFFFFC000  }
0xe3: {  	_ =	swait.ge [sflag:s8], $0x4000  }
0xe4: {  	[sflag:s8] =	ssyncset.done $0x0  }
0xe5: {  	[sflag:s8] =	ssyncadd.s32 $0xFFFFC000  }
0xe6: {  	[tilespmem:s12], [sflag:$0x1] =	stream.indirect.gather [hbm4b:s2+s11], $0x80, s19, s11, $0xb8;
	[tilespmem:$0x8600] =	vst v63  }
0xe7: {  	_ = 	snop  }
0xe8: {  	[hbm4b:s16+s3] =	stream.linear.scatter [tilespmem:s9], [sflag:$0x4], $0x4000, $0x38;
	[tilespmem:$0x8600] =	vst v63  }
0xe9: {  	_ =	swait.ge [sflag:s14], $0x4000  }
0xea: {  	[sflag:s14] =	ssyncset.done $0x0  }
0xeb: {  	[sflag:s14] =	ssyncadd.s32 $0xFFFFC000  }
0xec: {  	_ =	swait.ge [sflag:s7], $0x4000  }
0xed: {  	[sflag:s7] =	ssyncset.done $0x0  }
0xee: {  	[sflag:s7] =	ssyncadd.s32 $0xFFFFC000  }
0xef: {  	[tilespmem:s9], [sflag:$0x2] =	stream.indirect.gather [hbm4b:s2+s11], $0x80, s21, s11, $0xb8;
	[tilespmem:$0x8600] =	vst v63  }
0xf0: {  	_ = 	snop  }
0xf1: {  	[hbm4b:s15+s3] =	stream.linear.scatter [tilespmem:s12], [sflag:$0x3], $0x4000, $0x38;
	[tilespmem:$0x8600] =	vst v63  }
0xf2: {  	_ =	swait.ge [sflag:s13], $0x4000  }
0xf3: {  	[sflag:s13] =	ssyncset.done $0x0  }
0xf4: {  	[sflag:s13] =	ssyncadd.s32 $0xFFFFC000  }
0xf5: {  	_ =	swait.ge [sflag:s8], $0x4000  }
0xf6: {  	[sflag:s8] =	ssyncset.done $0x0  }
0xf7: {  	[sflag:s8] =	ssyncadd.s32 $0xFFFFC000  }
0xf8: {  	[tilespmem:s12], [sflag:$0x1] =	stream.indirect.gather [hbm4b:s2+s11], $0x80, s20, s11, $0xb8;
	[tilespmem:$0x8600] =	vst v63  }
0xf9: {  	_ = 	snop  }
0xfa: {  	[hbm4b:s10+s3] =	stream.linear.scatter [tilespmem:s9], [sflag:$0x4], $0x4000, $0x38;
	[tilespmem:$0x8600] =	vst v63  }
0xfb: {  	_ =	swait.ge [sflag:s14], $0x4000  }
0xfc: {  	[sflag:s14] =	ssyncset.done $0x0  }
0xfd: {  	[sflag:s14] =	ssyncadd.s32 $0xFFFFC000  }
0xfe: {  	_ =	swait.ge [sflag:s7], $0x4000  }
0xff: {  	[sflag:s7] =	ssyncset.done $0x0  }
0x100: {  	[sflag:s7] =	ssyncadd.s32 $0xFFFFC000  }
0x101: {  	[tilespmem:s9], [sflag:$0x2] =	stream.indirect.gather [hbm4b:s2+s11], $0x80, s17, s11, $0xb8;
	[tilespmem:$0x8600] =	vst v63  }
0x102: {  	_ = 	snop  }
0x103: {  	[hbm4b:s6+s3] =	stream.linear.scatter [tilespmem:s12], [sflag:$0x3], $0x4000, $0x38;
	[tilespmem:$0x8600] =	vst v63  }
0x104: {  	_ =	swait.ge [sflag:s13], $0x4000  }
0x105: {  	[sflag:s13] =	ssyncset.done $0x0  }
0x106: {  	p1 =	sne.s32 s1, $0x1;
	[sflag:s13] =	ssyncadd.s32 $0xFFFFC000  }
0x107: {  	[hbm4b:s5+s3] =	stream.linear.scatter [tilespmem:s9], [sflag:$0x4], $0x4000, $0x38;
	[tilespmem:$0x8600] =	vst v63  }
.Ltmp1:
0x108: {  	_ =	swait.ge [sflag:s8], $0x4000;
	(pc) =	sbr.rel @!p1 .LBB2_3-.Ltmp1, $4  }
0x109: {  	[sflag:s8] =	ssyncset.done $0x0  }
0x10a: {  	[sflag:s8] =	ssyncadd.s32 $0xFFFFC000  }
0x10b: {  	s1 =	sadd.s32 $0xFFFFFFFF, s1;
	_ =	swait.ge [sflag:s7], $0x4000  }
0x10c: {  	p0 =	por $0x1, $0x1;
	s0 =	rddreg [dreg:$0xe];
	[sflag:s7] =	ssyncset.done $0x0  }
.LBB2_2:
0x10d: {  	[sflag:s7] =	ssyncadd.s32 $0xFFFFC000  }
0x10e: {  	[tilespmem:s3], [sflag:$0x5] =	stream.linear.gather [hbm4b:s0+s3], $0x200, $0x38;
	[tilespmem:$0x8600] =	vst v63  }
0x10f: {  	_ =	swait.ge [sflag:s31], $0x200  }
0x110: {  	[sflag:s31] =	ssyncset.done $0x0  }
0x111: {  	s0 =	rddreg [dreg:$0xf];
	[sflag:s31] =	ssyncadd.s32 $0xFFFFFE00  }
0x112: {  	[tilespmem:s25], [sflag:$0x5] =	stream.linear.gather [hbm4b:s0+s3], $0x200, $0x38;
	[tilespmem:$0x8600] =	vst v63  }
0x113: {  	_ =	swait.ge [sflag:s31], $0x200  }
0x114: {  	[sflag:s31] =	ssyncset.done $0x0  }
0x115: {  	s0 =	rddreg [dreg:$0x10];
	[sflag:s31] =	ssyncadd.s32 $0xFFFFFE00  }
0x116: {  	[tilespmem:s19], [sflag:$0x5] =	stream.linear.gather [hbm4b:s0+s3], $0x200, $0x38;
	[tilespmem:$0x8600] =	vst v63  }
0x117: {  	_ =	swait.ge [sflag:s31], $0x200  }
0x118: {  	[sflag:s31] =	ssyncset.done $0x0  }
0x119: {  	[sflag:s31] =	ssyncadd.s32 $0xFFFFFE00  }
0x11a: {  	[tilespmem:s12], [sflag:$0x1] =	stream.indirect.gather [hbm4b:s26+s11], $0x80, s3, s11, $0xb8;
	[tilespmem:$0x8600] =	vst v63  }
0x11b: {  	_ =	swait.ge [sflag:s14], $0x4000  }
0x11c: {  	[sflag:s14] =	ssyncset.done $0x0  }
0x11d: {  	[sflag:s14] =	ssyncadd.s32 $0xFFFFC000  }
0x11e: {  	[tilespmem:s9], [sflag:$0x2] =	stream.indirect.gather [hbm4b:s26+s11], $0x80, s11, s11, $0xb8;
	[tilespmem:$0x8600] =	vst v63  }
0x11f: {  	s0 =	rddreg [dreg:$0x11]  }
0x120: {  	[hbm4b:s0+s3] =	stream.linear.scatter [tilespmem:s12], [sflag:$0x3], $0x4000, $0x38;
	[tilespmem:$0x8600] =	vst v63  }
0x121: {  	_ =	swait.ge [sflag:s13], $0x4000  }
0x122: {  	[sflag:s13] =	ssyncset.done $0x0  }
0x123: {  	[sflag:s13] =	ssyncadd.s32 $0xFFFFC000  }
0x124: {  	_ =	swait.ge [sflag:s8], $0x4000  }
0x125: {  	[sflag:s8] =	ssyncset.done $0x0  }
0x126: {  	[sflag:s8] =	ssyncadd.s32 $0xFFFFC000  }
0x127: {  	[tilespmem:s12], [sflag:$0x1] =	stream.indirect.gather [hbm4b:s26+s11], $0x80, s30, s11, $0xb8;
	[tilespmem:$0x8600] =	vst v63  }
0x128: {  	s0 =	rddreg [dreg:$0x12]  }
0x129: {  	[hbm4b:s0+s3] =	stream.linear.scatter [tilespmem:s9], [sflag:$0x4], $0x4000, $0x38;
	[tilespmem:$0x8600] =	vst v63  }
0x12a: {  	_ =	swait.ge [sflag:s14], $0x4000  }
0x12b: {  	[sflag:s14] =	ssyncset.done $0x0  }
0x12c: {  	[sflag:s14] =	ssyncadd.s32 $0xFFFFC000  }
0x12d: {  	_ =	swait.ge [sflag:s7], $0x4000  }
0x12e: {  	[sflag:s7] =	ssyncset.done $0x0  }
0x12f: {  	[sflag:s7] =	ssyncadd.s32 $0xFFFFC000  }
0x130: {  	[tilespmem:s9], [sflag:$0x2] =	stream.indirect.gather [hbm4b:s26+s11], $0x80, s29, s11, $0xb8;
	[tilespmem:$0x8600] =	vst v63  }
0x131: {  	s0 =	rddreg [dreg:$0x13]  }
0x132: {  	[hbm4b:s0+s3] =	stream.linear.scatter [tilespmem:s12], [sflag:$0x3], $0x4000, $0x38;
	[tilespmem:$0x8600] =	vst v63  }
0x133: {  	_ =	swait.ge [sflag:s13], $0x4000  }
0x134: {  	[sflag:s13] =	ssyncset.done $0x0  }
0x135: {  	[sflag:s13] =	ssyncadd.s32 $0xFFFFC000  }
0x136: {  	_ =	swait.ge [sflag:s8], $0x4000  }
0x137: {  	[sflag:s8] =	ssyncset.done $0x0  }
0x138: {  	[sflag:s8] =	ssyncadd.s32 $0xFFFFC000  }
0x139: {  	[tilespmem:s12], [sflag:$0x1] =	stream.indirect.gather [hbm4b:s22+s11], $0x80, s3, s11, $0xb8;
	[tilespmem:$0x8600] =	vst v63  }
0x13a: {  	s0 =	rddreg [dreg:$0x14]  }
0x13b: {  	[hbm4b:s0+s3] =	stream.linear.scatter [tilespmem:s9], [sflag:$0x4], $0x4000, $0x38;
	[tilespmem:$0x8600] =	vst v63  }
0x13c: {  	_ =	swait.ge [sflag:s14], $0x4000  }
0x13d: {  	[sflag:s14] =	ssyncset.done $0x0  }
0x13e: {  	[sflag:s14] =	ssyncadd.s32 $0xFFFFC000  }
0x13f: {  	_ =	swait.ge [sflag:s7], $0x4000  }
0x140: {  	[sflag:s7] =	ssyncset.done $0x0  }
0x141: {  	[sflag:s7] =	ssyncadd.s32 $0xFFFFC000  }
0x142: {  	[tilespmem:s9], [sflag:$0x2] =	stream.indirect.gather [hbm4b:s22+s11], $0x80, s11, s11, $0xb8;
	[tilespmem:$0x8600] =	vst v63  }
0x143: {  	s0 =	rddreg [dreg:$0x15]  }
0x144: {  	[hbm4b:s0+s3] =	stream.linear.scatter [tilespmem:s12], [sflag:$0x3], $0x4000, $0x38;
	[tilespmem:$0x8600] =	vst v63  }
0x145: {  	_ =	swait.ge [sflag:s13], $0x4000  }
0x146: {  	[sflag:s13] =	ssyncset.done $0x0  }
0x147: {  	[sflag:s13] =	ssyncadd.s32 $0xFFFFC000  }
0x148: {  	_ =	swait.ge [sflag:s8], $0x4000  }
0x149: {  	[sflag:s8] =	ssyncset.done $0x0  }
0x14a: {  	[sflag:s8] =	ssyncadd.s32 $0xFFFFC000  }
0x14b: {  	[tilespmem:s12], [sflag:$0x1] =	stream.indirect.gather [hbm4b:s22+s11], $0x80, s30, s11, $0xb8;
	[tilespmem:$0x8600] =	vst v63  }
0x14c: {  	s0 =	rddreg [dreg:$0x16]  }
0x14d: {  	[hbm4b:s0+s3] =	stream.linear.scatter [tilespmem:s9], [sflag:$0x4], $0x4000, $0x38;
	[tilespmem:$0x8600] =	vst v63  }
0x14e: {  	_ =	swait.ge [sflag:s14], $0x4000  }
0x14f: {  	[sflag:s14] =	ssyncset.done $0x0  }
0x150: {  	[sflag:s14] =	ssyncadd.s32 $0xFFFFC000  }
0x151: {  	_ =	swait.ge [sflag:s7], $0x4000  }
0x152: {  	[sflag:s7] =	ssyncset.done $0x0  }
0x153: {  	[sflag:s7] =	ssyncadd.s32 $0xFFFFC000  }
0x154: {  	[tilespmem:s9], [sflag:$0x2] =	stream.indirect.gather [hbm4b:s22+s11], $0x80, s29, s11, $0xb8;
	[tilespmem:$0x8600] =	vst v63  }
0x155: {  	s0 =	rddreg [dreg:$0x17]  }
0x156: {  	[hbm4b:s0+s3] =	stream.linear.scatter [tilespmem:s12], [sflag:$0x3], $0x4000, $0x38;
	[tilespmem:$0x8600] =	vst v63  }
0x157: {  	_ =	swait.ge [sflag:s13], $0x4000  }
0x158: {  	[sflag:s13] =	ssyncset.done $0x0  }
0x159: {  	[sflag:s13] =	ssyncadd.s32 $0xFFFFC000  }
0x15a: {  	_ =	swait.ge [sflag:s8], $0x4000  }
0x15b: {  	[sflag:s8] =	ssyncset.done $0x0  }
0x15c: {  	[sflag:s8] =	ssyncadd.s32 $0xFFFFC000  }
0x15d: {  	[tilespmem:s12], [sflag:$0x1] =	stream.indirect.gather [hbm4b:s4+s11], $0x80, s25, s11, $0xb8;
	[tilespmem:$0x8600] =	vst v63  }
0x15e: {  	s0 =	rddreg [dreg:$0x18]  }
0x15f: {  	[hbm4b:s0+s3] =	stream.linear.scatter [tilespmem:s9], [sflag:$0x4], $0x4000, $0x38;
	[tilespmem:$0x8600] =	vst v63  }
0x160: {  	_ =	swait.ge [sflag:s14], $0x4000  }
0x161: {  	[sflag:s14] =	ssyncset.done $0x0  }
0x162: {  	[sflag:s14] =	ssyncadd.s32 $0xFFFFC000  }
0x163: {  	_ =	swait.ge [sflag:s7], $0x4000  }
0x164: {  	[sflag:s7] =	ssyncset.done $0x0  }
0x165: {  	[sflag:s7] =	ssyncadd.s32 $0xFFFFC000  }
0x166: {  	[tilespmem:s9], [sflag:$0x2] =	stream.indirect.gather [hbm4b:s4+s11], $0x80, s28, s11, $0xb8;
	[tilespmem:$0x8600] =	vst v63  }
0x167: {  	s0 =	rddreg [dreg:$0x19]  }
0x168: {  	[hbm4b:s0+s3] =	stream.linear.scatter [tilespmem:s12], [sflag:$0x3], $0x4000, $0x38;
	[tilespmem:$0x8600] =	vst v63  }
0x169: {  	_ =	swait.ge [sflag:s13], $0x4000  }
0x16a: {  	[sflag:s13] =	ssyncset.done $0x0  }
0x16b: {  	[sflag:s13] =	ssyncadd.s32 $0xFFFFC000  }
0x16c: {  	_ =	swait.ge [sflag:s8], $0x4000  }
0x16d: {  	[sflag:s8] =	ssyncset.done $0x0  }
0x16e: {  	[sflag:s8] =	ssyncadd.s32 $0xFFFFC000  }
0x16f: {  	[tilespmem:s12], [sflag:$0x1] =	stream.indirect.gather [hbm4b:s4+s11], $0x80, s24, s11, $0xb8;
	[tilespmem:$0x8600] =	vst v63  }
0x170: {  	s0 =	rddreg [dreg:$0x1a]  }
0x171: {  	[hbm4b:s0+s3] =	stream.linear.scatter [tilespmem:s9], [sflag:$0x4], $0x4000, $0x38;
	[tilespmem:$0x8600] =	vst v63  }
0x172: {  	_ =	swait.ge [sflag:s14], $0x4000  }
0x173: {  	[sflag:s14] =	ssyncset.done $0x0  }
0x174: {  	[sflag:s14] =	ssyncadd.s32 $0xFFFFC000  }
0x175: {  	_ =	swait.ge [sflag:s7], $0x4000  }
0x176: {  	[sflag:s7] =	ssyncset.done $0x0  }
0x177: {  	[sflag:s7] =	ssyncadd.s32 $0xFFFFC000  }
0x178: {  	[tilespmem:s9], [sflag:$0x2] =	stream.indirect.gather [hbm4b:s4+s11], $0x80, s23, s11, $0xb8;
	[tilespmem:$0x8600] =	vst v63  }
0x179: {  	s0 =	rddreg [dreg:$0x1b]  }
0x17a: {  	[hbm4b:s0+s3] =	stream.linear.scatter [tilespmem:s12], [sflag:$0x3], $0x4000, $0x38;
	[tilespmem:$0x8600] =	vst v63  }
0x17b: {  	_ =	swait.ge [sflag:s13], $0x4000  }
0x17c: {  	[sflag:s13] =	ssyncset.done $0x0  }
0x17d: {  	[sflag:s13] =	ssyncadd.s32 $0xFFFFC000  }
0x17e: {  	_ =	swait.ge [sflag:s8], $0x4000  }
0x17f: {  	[sflag:s8] =	ssyncset.done $0x0  }
0x180: {  	[sflag:s8] =	ssyncadd.s32 $0xFFFFC000  }
0x181: {  	[tilespmem:s12], [sflag:$0x1] =	stream.indirect.gather [hbm4b:s2+s11], $0x80, s25, s11, $0xb8;
	[tilespmem:$0x8600] =	vst v63  }
0x182: {  	s0 =	rddreg [dreg:$0x1c]  }
0x183: {  	[hbm4b:s0+s3] =	stream.linear.scatter [tilespmem:s9], [sflag:$0x4], $0x4000, $0x38;
	[tilespmem:$0x8600] =	vst v63  }
0x184: {  	_ =	swait.ge [sflag:s14], $0x4000  }
0x185: {  	[sflag:s14] =	ssyncset.done $0x0  }
0x186: {  	[sflag:s14] =	ssyncadd.s32 $0xFFFFC000  }
0x187: {  	_ =	swait.ge [sflag:s7], $0x4000  }
0x188: {  	[sflag:s7] =	ssyncset.done $0x0  }
0x189: {  	[sflag:s7] =	ssyncadd.s32 $0xFFFFC000  }
0x18a: {  	[tilespmem:s9], [sflag:$0x2] =	stream.indirect.gather [hbm4b:s2+s11], $0x80, s28, s11, $0xb8;
	[tilespmem:$0x8600] =	vst v63  }
0x18b: {  	s0 =	rddreg [dreg:$0x1d]  }
0x18c: {  	[hbm4b:s0+s3] =	stream.linear.scatter [tilespmem:s12], [sflag:$0x3], $0x4000, $0x38;
	[tilespmem:$0x8600] =	vst v63  }
0x18d: {  	_ =	swait.ge [sflag:s13], $0x4000  }
0x18e: {  	[sflag:s13] =	ssyncset.done $0x0  }
0x18f: {  	[sflag:s13] =	ssyncadd.s32 $0xFFFFC000  }
0x190: {  	_ =	swait.ge [sflag:s8], $0x4000  }
0x191: {  	[sflag:s8] =	ssyncset.done $0x0  }
0x192: {  	[sflag:s8] =	ssyncadd.s32 $0xFFFFC000  }
0x193: {  	[tilespmem:s12], [sflag:$0x1] =	stream.indirect.gather [hbm4b:s2+s11], $0x80, s24, s11, $0xb8;
	[tilespmem:$0x8600] =	vst v63  }
0x194: {  	s0 =	rddreg [dreg:$0x1e]  }
0x195: {  	[hbm4b:s0+s3] =	stream.linear.scatter [tilespmem:s9], [sflag:$0x4], $0x4000, $0x38;
	[tilespmem:$0x8600] =	vst v63  }
0x196: {  	_ =	swait.ge [sflag:s14], $0x4000  }
0x197: {  	[sflag:s14] =	ssyncset.done $0x0  }
0x198: {  	[sflag:s14] =	ssyncadd.s32 $0xFFFFC000  }
0x199: {  	_ =	swait.ge [sflag:s7], $0x4000  }
0x19a: {  	[sflag:s7] =	ssyncset.done $0x0  }
0x19b: {  	[sflag:s7] =	ssyncadd.s32 $0xFFFFC000  }
0x19c: {  	[tilespmem:s9], [sflag:$0x2] =	stream.indirect.gather [hbm4b:s2+s11], $0x80, s23, s11, $0xb8;
	[tilespmem:$0x8600] =	vst v63  }
0x19d: {  	s0 =	rddreg [dreg:$0x1f]  }
0x19e: {  	[hbm4b:s0+s3] =	stream.linear.scatter [tilespmem:s12], [sflag:$0x3], $0x4000, $0x38;
	[tilespmem:$0x8600] =	vst v63  }
0x19f: {  	_ =	swait.ge [sflag:s13], $0x4000  }
0x1a0: {  	[sflag:s13] =	ssyncset.done $0x0  }
0x1a1: {  	[sflag:s13] =	ssyncadd.s32 $0xFFFFC000  }
0x1a2: {  	_ =	swait.ge [sflag:s8], $0x4000  }
0x1a3: {  	[sflag:s8] =	ssyncset.done $0x0  }
0x1a4: {  	s0 =	sld [smem:$0x7FB];
	[sflag:s8] =	ssyncadd.s32 $0xFFFFC000  }
0x1a5: {  	[tilespmem:s12], [sflag:$0x1] =	stream.indirect.gather [hbm4b:s4+s11], $0x80, s19, s11, $0xb8;
	[tilespmem:$0x8600] =	vst v63  }
0x1a6: {  	_ = 	snop  }
0x1a7: {  	[hbm4b:s0+s3] =	stream.linear.scatter [tilespmem:s9], [sflag:$0x4], $0x4000, $0x38;
	[tilespmem:$0x8600] =	vst v63  }
0x1a8: {  	_ =	swait.ge [sflag:s14], $0x4000  }
0x1a9: {  	[sflag:s14] =	ssyncset.done $0x0  }
0x1aa: {  	[sflag:s14] =	ssyncadd.s32 $0xFFFFC000  }
0x1ab: {  	_ =	swait.ge [sflag:s7], $0x4000  }
0x1ac: {  	[sflag:s7] =	ssyncset.done $0x0  }
0x1ad: {  	s0 =	sld [smem:$0x7FC];
	[sflag:s7] =	ssyncadd.s32 $0xFFFFC000  }
0x1ae: {  	[tilespmem:s9], [sflag:$0x2] =	stream.indirect.gather [hbm4b:s4+s11], $0x80, s21, s11, $0xb8;
	[tilespmem:$0x8600] =	vst v63  }
0x1af: {  	_ = 	snop  }
0x1b0: {  	[hbm4b:s0+s3] =	stream.linear.scatter [tilespmem:s12], [sflag:$0x3], $0x4000, $0x38;
	[tilespmem:$0x8600] =	vst v63  }
0x1b1: {  	_ =	swait.ge [sflag:s13], $0x4000  }
0x1b2: {  	[sflag:s13] =	ssyncset.done $0x0  }
0x1b3: {  	[sflag:s13] =	ssyncadd.s32 $0xFFFFC000  }
0x1b4: {  	_ =	swait.ge [sflag:s8], $0x4000  }
0x1b5: {  	[sflag:s8] =	ssyncset.done $0x0  }
0x1b6: {  	s0 =	sld [smem:$0x7FD];
	[sflag:s8] =	ssyncadd.s32 $0xFFFFC000  }
0x1b7: {  	[tilespmem:s12], [sflag:$0x1] =	stream.indirect.gather [hbm4b:s4+s11], $0x80, s20, s11, $0xb8;
	[tilespmem:$0x8600] =	vst v63  }
0x1b8: {  	_ = 	snop  }
0x1b9: {  	[hbm4b:s0+s3] =	stream.linear.scatter [tilespmem:s9], [sflag:$0x4], $0x4000, $0x38;
	[tilespmem:$0x8600] =	vst v63  }
0x1ba: {  	_ =	swait.ge [sflag:s14], $0x4000  }
0x1bb: {  	[sflag:s14] =	ssyncset.done $0x0  }
0x1bc: {  	[sflag:s14] =	ssyncadd.s32 $0xFFFFC000  }
0x1bd: {  	_ =	swait.ge [sflag:s7], $0x4000  }
0x1be: {  	[sflag:s7] =	ssyncset.done $0x0  }
0x1bf: {  	[sflag:s7] =	ssyncadd.s32 $0xFFFFC000  }
0x1c0: {  	[tilespmem:s9], [sflag:$0x2] =	stream.indirect.gather [hbm4b:s4+s11], $0x80, s17, s11, $0xb8;
	[tilespmem:$0x8600] =	vst v63  }
0x1c1: {  	_ = 	snop  }
0x1c2: {  	[hbm4b:s18+s3] =	stream.linear.scatter [tilespmem:s12], [sflag:$0x3], $0x4000, $0x38;
	[tilespmem:$0x8600] =	vst v63  }
0x1c3: {  	_ =	swait.ge [sflag:s13], $0x4000  }
0x1c4: {  	[sflag:s13] =	ssyncset.done $0x0  }
0x1c5: {  	[sflag:s13] =	ssyncadd.s32 $0xFFFFC000  }
0x1c6: {  	_ =	swait.ge [sflag:s8], $0x4000  }
0x1c7: {  	[sflag:s8] =	ssyncset.done $0x0  }
0x1c8: {  	[sflag:s8] =	ssyncadd.s32 $0xFFFFC000  }
0x1c9: {  	[tilespmem:s12], [sflag:$0x1] =	stream.indirect.gather [hbm4b:s2+s11], $0x80, s19, s11, $0xb8;
	[tilespmem:$0x8600] =	vst v63  }
0x1ca: {  	_ = 	snop  }
0x1cb: {  	[hbm4b:s16+s3] =	stream.linear.scatter [tilespmem:s9], [sflag:$0x4], $0x4000, $0x38;
	[tilespmem:$0x8600] =	vst v63  }
0x1cc: {  	_ =	swait.ge [sflag:s14], $0x4000  }
0x1cd: {  	[sflag:s14] =	ssyncset.done $0x0  }
0x1ce: {  	[sflag:s14] =	ssyncadd.s32 $0xFFFFC000  }
0x1cf: {  	_ =	swait.ge [sflag:s7], $0x4000  }
0x1d0: {  	[sflag:s7] =	ssyncset.done $0x0  }
0x1d1: {  	[sflag:s7] =	ssyncadd.s32 $0xFFFFC000  }
0x1d2: {  	[tilespmem:s9], [sflag:$0x2] =	stream.indirect.gather [hbm4b:s2+s11], $0x80, s21, s11, $0xb8;
	[tilespmem:$0x8600] =	vst v63  }
0x1d3: {  	_ = 	snop  }
0x1d4: {  	[hbm4b:s15+s3] =	stream.linear.scatter [tilespmem:s12], [sflag:$0x3], $0x4000, $0x38;
	[tilespmem:$0x8600] =	vst v63  }
0x1d5: {  	_ =	swait.ge [sflag:s13], $0x4000  }
0x1d6: {  	[sflag:s13] =	ssyncset.done $0x0  }
0x1d7: {  	[sflag:s13] =	ssyncadd.s32 $0xFFFFC000  }
0x1d8: {  	_ =	swait.ge [sflag:s8], $0x4000  }
0x1d9: {  	[sflag:s8] =	ssyncset.done $0x0  }
0x1da: {  	[sflag:s8] =	ssyncadd.s32 $0xFFFFC000  }
0x1db: {  	[tilespmem:s12], [sflag:$0x1] =	stream.indirect.gather [hbm4b:s2+s11], $0x80, s20, s11, $0xb8;
	[tilespmem:$0x8600] =	vst v63  }
0x1dc: {  	_ = 	snop  }
0x1dd: {  	[hbm4b:s10+s3] =	stream.linear.scatter [tilespmem:s9], [sflag:$0x4], $0x4000, $0x38;
	[tilespmem:$0x8600] =	vst v63  }
0x1de: {  	_ =	swait.ge [sflag:s14], $0x4000  }
0x1df: {  	[sflag:s14] =	ssyncset.done $0x0  }
0x1e0: {  	[sflag:s14] =	ssyncadd.s32 $0xFFFFC000  }
0x1e1: {  	_ =	swait.ge [sflag:s7], $0x4000  }
0x1e2: {  	[sflag:s7] =	ssyncset.done $0x0  }
0x1e3: {  	[sflag:s7] =	ssyncadd.s32 $0xFFFFC000  }
0x1e4: {  	[tilespmem:s9], [sflag:$0x2] =	stream.indirect.gather [hbm4b:s2+s11], $0x80, s17, s11, $0xb8;
	[tilespmem:$0x8600] =	vst v63  }
0x1e5: {  	_ = 	snop  }
0x1e6: {  	[hbm4b:s6+s3] =	stream.linear.scatter [tilespmem:s12], [sflag:$0x3], $0x4000, $0x38;
	[tilespmem:$0x8600] =	vst v63  }
0x1e7: {  	_ =	swait.ge [sflag:s13], $0x4000  }
0x1e8: {  	[sflag:s13] =	ssyncset.done $0x0  }
0x1e9: {  	p1 =	sne.s32 s1, $0x1;
	[sflag:s13] =	ssyncadd.s32 $0xFFFFC000  }
0x1ea: {  	[hbm4b:s5+s3] =	stream.linear.scatter [tilespmem:s9], [sflag:$0x4], $0x4000, $0x38;
	[tilespmem:$0x8600] =	vst v63  }
.Ltmp2:
0x1eb: {  	_ =	swait.ge [sflag:s8], $0x4000;
	(pc) =	sbr.rel @p1 .LBB2_2-.Ltmp2, $4  }
0x1ec: {  	[sflag:s8] =	ssyncset.done $0x0  }
0x1ed: {  	[sflag:s8] =	ssyncadd.s32 $0xFFFFC000  }
0x1ee: {  	_ =	swait.ge [sflag:s7], $0x4000  }
0x1ef: {  	s1 =	sadd.s32 $0xFFFFFFFF, s1;
	s0 =	rddreg [dreg:$0xe];
	[sflag:s7] =	ssyncset.done $0x0  }
.LBB2_3:
0x1f0: {  	[sflag:s7] =	ssyncadd.s32 @p0 $0xFFFFC000  }
0x1f1: {  	[tilespmem:s3], [sflag:$0x5] =	stream.linear.gather [hbm4b:s0+s3], $0x200, $0x38;
	[tilespmem:$0x8600] =	vst v63  }
0x1f2: {  	_ =	swait.ge [sflag:s31], $0x200  }
0x1f3: {  	[sflag:s31] =	ssyncset.done $0x0  }
0x1f4: {  	s1 =	rddreg [dreg:$0xf];
	[sflag:s31] =	ssyncadd.s32 $0xFFFFFE00  }
0x1f5: {  	[tilespmem:s25], [sflag:$0x5] =	stream.linear.gather [hbm4b:s1+s3], $0x200, $0x38;
	[tilespmem:$0x8600] =	vst v63  }
0x1f6: {  	_ =	swait.ge [sflag:s31], $0x200  }
0x1f7: {  	[sflag:s31] =	ssyncset.done $0x0  }
0x1f8: {  	s1 =	rddreg [dreg:$0x10];
	[sflag:s31] =	ssyncadd.s32 $0xFFFFFE00  }
0x1f9: {  	[tilespmem:s19], [sflag:$0x5] =	stream.linear.gather [hbm4b:s1+s3], $0x200, $0x38;
	[tilespmem:$0x8600] =	vst v63  }
0x1fa: {  	_ =	swait.ge [sflag:s31], $0x200  }
0x1fb: {  	[sflag:s31] =	ssyncset.done $0x0  }
0x1fc: {  	[sflag:s31] =	ssyncadd.s32 $0xFFFFFE00  }
0x1fd: {  	[tilespmem:s12], [sflag:$0x1] =	stream.indirect.gather [hbm4b:s26+s11], $0x80, s3, s11, $0xb8;
	[tilespmem:$0x8600] =	vst v63  }
0x1fe: {  	_ =	swait.ge [sflag:s14], $0x4000  }
0x1ff: {  	[sflag:s14] =	ssyncset.done $0x0  }
0x200: {  	[sflag:s14] =	ssyncadd.s32 $0xFFFFC000  }
0x201: {  	[tilespmem:s9], [sflag:$0x2] =	stream.indirect.gather [hbm4b:s26+s11], $0x80, s11, s11, $0xb8;
	[tilespmem:$0x8600] =	vst v63  }
0x202: {  	s31 =	rddreg [dreg:$0x11]  }
0x203: {  	[hbm4b:s31+s3] =	stream.linear.scatter [tilespmem:s12], [sflag:$0x3], $0x4000, $0x38;
	[tilespmem:$0x8600] =	vst v63  }
0x204: {  	_ =	swait.ge [sflag:s13], $0x4000  }
0x205: {  	[sflag:s13] =	ssyncset.done $0x0  }
0x206: {  	[sflag:s13] =	ssyncadd.s32 $0xFFFFC000  }
0x207: {  	_ =	swait.ge [sflag:s8], $0x4000  }
0x208: {  	[sflag:s8] =	ssyncset.done $0x0  }
0x209: {  	[sflag:s8] =	ssyncadd.s32 $0xFFFFC000  }
0x20a: {  	[tilespmem:s12], [sflag:$0x1] =	stream.indirect.gather [hbm4b:s26+s11], $0x80, s30, s11, $0xb8;
	[tilespmem:$0x8600] =	vst v63  }
0x20b: {  	s1 =	rddreg [dreg:$0x12]  }
0x20c: {  	[hbm4b:s1+s3] =	stream.linear.scatter [tilespmem:s9], [sflag:$0x4], $0x4000, $0x38;
	[tilespmem:$0x8600] =	vst v63  }
0x20d: {  	_ =	swait.ge [sflag:s14], $0x4000  }
0x20e: {  	[sflag:s14] =	ssyncset.done $0x0  }
0x20f: {  	[sflag:s14] =	ssyncadd.s32 $0xFFFFC000  }
0x210: {  	_ =	swait.ge [sflag:s7], $0x4000  }
0x211: {  	[sflag:s7] =	ssyncset.done $0x0  }
0x212: {  	[sflag:s7] =	ssyncadd.s32 $0xFFFFC000  }
0x213: {  	[tilespmem:s9], [sflag:$0x2] =	stream.indirect.gather [hbm4b:s26+s11], $0x80, s29, s11, $0xb8;
	[tilespmem:$0x8600] =	vst v63  }
0x214: {  	s31 =	rddreg [dreg:$0x13]  }
0x215: {  	[hbm4b:s31+s3] =	stream.linear.scatter [tilespmem:s12], [sflag:$0x3], $0x4000, $0x38;
	[tilespmem:$0x8600] =	vst v63  }
0x216: {  	_ =	swait.ge [sflag:s13], $0x4000  }
0x217: {  	[sflag:s13] =	ssyncset.done $0x0  }
0x218: {  	[sflag:s13] =	ssyncadd.s32 $0xFFFFC000  }
0x219: {  	_ =	swait.ge [sflag:s8], $0x4000  }
0x21a: {  	[sflag:s8] =	ssyncset.done $0x0  }
0x21b: {  	[sflag:s8] =	ssyncadd.s32 $0xFFFFC000  }
0x21c: {  	[tilespmem:s12], [sflag:$0x1] =	stream.indirect.gather [hbm4b:s22+s11], $0x80, s3, s11, $0xb8;
	[tilespmem:$0x8600] =	vst v63  }
0x21d: {  	s1 =	rddreg [dreg:$0x14]  }
0x21e: {  	[hbm4b:s1+s3] =	stream.linear.scatter [tilespmem:s9], [sflag:$0x4], $0x4000, $0x38;
	[tilespmem:$0x8600] =	vst v63  }
0x21f: {  	_ =	swait.ge [sflag:s14], $0x4000  }
0x220: {  	[sflag:s14] =	ssyncset.done $0x0  }
0x221: {  	[sflag:s14] =	ssyncadd.s32 $0xFFFFC000  }
0x222: {  	_ =	swait.ge [sflag:s7], $0x4000  }
0x223: {  	[sflag:s7] =	ssyncset.done $0x0  }
0x224: {  	[sflag:s7] =	ssyncadd.s32 $0xFFFFC000  }
0x225: {  	[tilespmem:s9], [sflag:$0x2] =	stream.indirect.gather [hbm4b:s22+s11], $0x80, s11, s11, $0xb8;
	[tilespmem:$0x8600] =	vst v63  }
0x226: {  	s26 =	rddreg [dreg:$0x15]  }
0x227: {  	[hbm4b:s26+s3] =	stream.linear.scatter [tilespmem:s12], [sflag:$0x3], $0x4000, $0x38;
	[tilespmem:$0x8600] =	vst v63  }
0x228: {  	_ =	swait.ge [sflag:s13], $0x4000  }
0x229: {  	[sflag:s13] =	ssyncset.done $0x0  }
0x22a: {  	[sflag:s13] =	ssyncadd.s32 $0xFFFFC000  }
0x22b: {  	_ =	swait.ge [sflag:s8], $0x4000  }
0x22c: {  	[sflag:s8] =	ssyncset.done $0x0  }
0x22d: {  	[sflag:s8] =	ssyncadd.s32 $0xFFFFC000  }
0x22e: {  	[tilespmem:s12], [sflag:$0x1] =	stream.indirect.gather [hbm4b:s22+s11], $0x80, s30, s11, $0xb8;
	[tilespmem:$0x8600] =	vst v63  }
0x22f: {  	s31 =	rddreg [dreg:$0x16]  }
0x230: {  	[hbm4b:s31+s3] =	stream.linear.scatter [tilespmem:s9], [sflag:$0x4], $0x4000, $0x38;
	[tilespmem:$0x8600] =	vst v63  }
0x231: {  	_ =	swait.ge [sflag:s14], $0x4000  }
0x232: {  	[sflag:s14] =	ssyncset.done $0x0  }
0x233: {  	[sflag:s14] =	ssyncadd.s32 $0xFFFFC000  }
0x234: {  	_ =	swait.ge [sflag:s7], $0x4000  }
0x235: {  	[sflag:s7] =	ssyncset.done $0x0  }
0x236: {  	[sflag:s7] =	ssyncadd.s32 $0xFFFFC000  }
0x237: {  	[tilespmem:s9], [sflag:$0x2] =	stream.indirect.gather [hbm4b:s22+s11], $0x80, s29, s11, $0xb8;
	[tilespmem:$0x8600] =	vst v63  }
0x238: {  	s1 =	rddreg [dreg:$0x17]  }
0x239: {  	[hbm4b:s1+s3] =	stream.linear.scatter [tilespmem:s12], [sflag:$0x3], $0x4000, $0x38;
	[tilespmem:$0x8600] =	vst v63  }
0x23a: {  	_ =	swait.ge [sflag:s13], $0x4000  }
0x23b: {  	[sflag:s13] =	ssyncset.done $0x0  }
0x23c: {  	[sflag:s13] =	ssyncadd.s32 $0xFFFFC000  }
0x23d: {  	_ =	swait.ge [sflag:s8], $0x4000  }
0x23e: {  	[sflag:s8] =	ssyncset.done $0x0  }
0x23f: {  	[sflag:s8] =	ssyncadd.s32 $0xFFFFC000  }
0x240: {  	[tilespmem:s12], [sflag:$0x1] =	stream.indirect.gather [hbm4b:s4+s11], $0x80, s25, s11, $0xb8;
	[tilespmem:$0x8600] =	vst v63  }
0x241: {  	s26 =	rddreg [dreg:$0x18]  }
0x242: {  	[hbm4b:s26+s3] =	stream.linear.scatter [tilespmem:s9], [sflag:$0x4], $0x4000, $0x38;
	[tilespmem:$0x8600] =	vst v63  }
0x243: {  	_ =	swait.ge [sflag:s14], $0x4000  }
0x244: {  	[sflag:s14] =	ssyncset.done $0x0  }
0x245: {  	[sflag:s14] =	ssyncadd.s32 $0xFFFFC000  }
0x246: {  	_ =	swait.ge [sflag:s7], $0x4000  }
0x247: {  	[sflag:s7] =	ssyncset.done $0x0  }
0x248: {  	[sflag:s7] =	ssyncadd.s32 $0xFFFFC000  }
0x249: {  	[tilespmem:s9], [sflag:$0x2] =	stream.indirect.gather [hbm4b:s4+s11], $0x80, s28, s11, $0xb8;
	[tilespmem:$0x8600] =	vst v63  }
0x24a: {  	s29 =	rddreg [dreg:$0x19]  }
0x24b: {  	[hbm4b:s29+s3] =	stream.linear.scatter [tilespmem:s12], [sflag:$0x3], $0x4000, $0x38;
	[tilespmem:$0x8600] =	vst v63  }
0x24c: {  	_ =	swait.ge [sflag:s13], $0x4000  }
0x24d: {  	[sflag:s13] =	ssyncset.done $0x0  }
0x24e: {  	[sflag:s13] =	ssyncadd.s32 $0xFFFFC000  }
0x24f: {  	_ =	swait.ge [sflag:s8], $0x4000  }
0x250: {  	[sflag:s8] =	ssyncset.done $0x0  }
0x251: {  	[sflag:s8] =	ssyncadd.s32 $0xFFFFC000  }
0x252: {  	[tilespmem:s12], [sflag:$0x1] =	stream.indirect.gather [hbm4b:s4+s11], $0x80, s24, s11, $0xb8;
	[tilespmem:$0x8600] =	vst v63  }
0x253: {  	s30 =	rddreg [dreg:$0x1a]  }
0x254: {  	[hbm4b:s30+s3] =	stream.linear.scatter [tilespmem:s9], [sflag:$0x4], $0x4000, $0x38;
	[tilespmem:$0x8600] =	vst v63  }
0x255: {  	_ =	swait.ge [sflag:s14], $0x4000  }
0x256: {  	[sflag:s14] =	ssyncset.done $0x0  }
0x257: {  	[sflag:s14] =	ssyncadd.s32 $0xFFFFC000  }
0x258: {  	_ =	swait.ge [sflag:s7], $0x4000  }
0x259: {  	[sflag:s7] =	ssyncset.done $0x0  }
0x25a: {  	[sflag:s7] =	ssyncadd.s32 $0xFFFFC000  }
0x25b: {  	[tilespmem:s9], [sflag:$0x2] =	stream.indirect.gather [hbm4b:s4+s11], $0x80, s23, s11, $0xb8;
	[tilespmem:$0x8600] =	vst v63  }
0x25c: {  	s31 =	rddreg [dreg:$0x1b]  }
0x25d: {  	[hbm4b:s31+s3] =	stream.linear.scatter [tilespmem:s12], [sflag:$0x3], $0x4000, $0x38;
	[tilespmem:$0x8600] =	vst v63  }
0x25e: {  	_ =	swait.ge [sflag:s13], $0x4000  }
0x25f: {  	[sflag:s13] =	ssyncset.done $0x0  }
0x260: {  	[sflag:s13] =	ssyncadd.s32 $0xFFFFC000  }
0x261: {  	_ =	swait.ge [sflag:s8], $0x4000  }
0x262: {  	[sflag:s8] =	ssyncset.done $0x0  }
0x263: {  	[sflag:s8] =	ssyncadd.s32 $0xFFFFC000  }
0x264: {  	[tilespmem:s12], [sflag:$0x1] =	stream.indirect.gather [hbm4b:s2+s11], $0x80, s25, s11, $0xb8;
	[tilespmem:$0x8600] =	vst v63  }
0x265: {  	s1 =	rddreg [dreg:$0x1c]  }
0x266: {  	[hbm4b:s1+s3] =	stream.linear.scatter [tilespmem:s9], [sflag:$0x4], $0x4000, $0x38;
	[tilespmem:$0x8600] =	vst v63  }
0x267: {  	_ =	swait.ge [sflag:s14], $0x4000  }
0x268: {  	[sflag:s14] =	ssyncset.done $0x0  }
0x269: {  	[sflag:s14] =	ssyncadd.s32 $0xFFFFC000  }
0x26a: {  	_ =	swait.ge [sflag:s7], $0x4000  }
0x26b: {  	[sflag:s7] =	ssyncset.done $0x0  }
0x26c: {  	[sflag:s7] =	ssyncadd.s32 $0xFFFFC000  }
0x26d: {  	[tilespmem:s9], [sflag:$0x2] =	stream.indirect.gather [hbm4b:s2+s11], $0x80, s28, s11, $0xb8;
	[tilespmem:$0x8600] =	vst v63  }
0x26e: {  	s22 =	rddreg [dreg:$0x1d]  }
0x26f: {  	[hbm4b:s22+s3] =	stream.linear.scatter [tilespmem:s12], [sflag:$0x3], $0x4000, $0x38;
	[tilespmem:$0x8600] =	vst v63  }
0x270: {  	_ =	swait.ge [sflag:s13], $0x4000  }
0x271: {  	[sflag:s13] =	ssyncset.done $0x0  }
0x272: {  	[sflag:s13] =	ssyncadd.s32 $0xFFFFC000  }
0x273: {  	_ =	swait.ge [sflag:s8], $0x4000  }
0x274: {  	[sflag:s8] =	ssyncset.done $0x0  }
0x275: {  	[sflag:s8] =	ssyncadd.s32 $0xFFFFC000  }
0x276: {  	[tilespmem:s12], [sflag:$0x1] =	stream.indirect.gather [hbm4b:s2+s11], $0x80, s24, s11, $0xb8;
	[tilespmem:$0x8600] =	vst v63  }
0x277: {  	s25 =	rddreg [dreg:$0x1e]  }
0x278: {  	[hbm4b:s25+s3] =	stream.linear.scatter [tilespmem:s9], [sflag:$0x4], $0x4000, $0x38;
	[tilespmem:$0x8600] =	vst v63  }
0x279: {  	_ =	swait.ge [sflag:s14], $0x4000  }
0x27a: {  	[sflag:s14] =	ssyncset.done $0x0  }
0x27b: {  	[sflag:s14] =	ssyncadd.s32 $0xFFFFC000  }
0x27c: {  	_ =	swait.ge [sflag:s7], $0x4000  }
0x27d: {  	[sflag:s7] =	ssyncset.done $0x0  }
0x27e: {  	[sflag:s7] =	ssyncadd.s32 $0xFFFFC000  }
0x27f: {  	[tilespmem:s9], [sflag:$0x2] =	stream.indirect.gather [hbm4b:s2+s11], $0x80, s23, s11, $0xb8;
	[tilespmem:$0x8600] =	vst v63  }
0x280: {  	s26 =	rddreg [dreg:$0x1f]  }
0x281: {  	[hbm4b:s26+s3] =	stream.linear.scatter [tilespmem:s12], [sflag:$0x3], $0x4000, $0x38;
	[tilespmem:$0x8600] =	vst v63  }
0x282: {  	_ =	swait.ge [sflag:s13], $0x4000  }
0x283: {  	[sflag:s13] =	ssyncset.done $0x0  }
0x284: {  	[sflag:s13] =	ssyncadd.s32 $0xFFFFC000  }
0x285: {  	_ =	swait.ge [sflag:s8], $0x4000  }
0x286: {  	[sflag:s8] =	ssyncset.done $0x0  }
0x287: {  	s28 =	sld [smem:$0x7FB];
	[sflag:s8] =	ssyncadd.s32 $0xFFFFC000  }
0x288: {  	[tilespmem:s12], [sflag:$0x1] =	stream.indirect.gather [hbm4b:s4+s11], $0x80, s19, s11, $0xb8;
	[tilespmem:$0x8600] =	vst v63  }
0x289: {  	_ = 	snop  }
0x28a: {  	[hbm4b:s28+s3] =	stream.linear.scatter [tilespmem:s9], [sflag:$0x4], $0x4000, $0x38;
	[tilespmem:$0x8600] =	vst v63  }
0x28b: {  	_ =	swait.ge [sflag:s14], $0x4000  }
0x28c: {  	[sflag:s14] =	ssyncset.done $0x0  }
0x28d: {  	[sflag:s14] =	ssyncadd.s32 $0xFFFFC000  }
0x28e: {  	_ =	swait.ge [sflag:s7], $0x4000  }
0x28f: {  	[sflag:s7] =	ssyncset.done $0x0  }
0x290: {  	s29 =	sld [smem:$0x7FC];
	[sflag:s7] =	ssyncadd.s32 $0xFFFFC000  }
0x291: {  	[tilespmem:s9], [sflag:$0x2] =	stream.indirect.gather [hbm4b:s4+s11], $0x80, s21, s11, $0xb8;
	[tilespmem:$0x8600] =	vst v63  }
0x292: {  	_ = 	snop  }
0x293: {  	[hbm4b:s29+s3] =	stream.linear.scatter [tilespmem:s12], [sflag:$0x3], $0x4000, $0x38;
	[tilespmem:$0x8600] =	vst v63  }
0x294: {  	_ =	swait.ge [sflag:s13], $0x4000  }
0x295: {  	[sflag:s13] =	ssyncset.done $0x0  }
0x296: {  	[sflag:s13] =	ssyncadd.s32 $0xFFFFC000  }
0x297: {  	_ =	swait.ge [sflag:s8], $0x4000  }
0x298: {  	[sflag:s8] =	ssyncset.done $0x0  }
0x299: {  	s30 =	sld [smem:$0x7FD];
	[sflag:s8] =	ssyncadd.s32 $0xFFFFC000  }
0x29a: {  	[tilespmem:s12], [sflag:$0x1] =	stream.indirect.gather [hbm4b:s4+s11], $0x80, s20, s11, $0xb8;
	[tilespmem:$0x8600] =	vst v63  }
0x29b: {  	_ = 	snop  }
0x29c: {  	[hbm4b:s30+s3] =	stream.linear.scatter [tilespmem:s9], [sflag:$0x4], $0x4000, $0x38;
	[tilespmem:$0x8600] =	vst v63  }
0x29d: {  	_ =	swait.ge [sflag:s14], $0x4000  }
0x29e: {  	[sflag:s14] =	ssyncset.done $0x0  }
0x29f: {  	[sflag:s14] =	ssyncadd.s32 $0xFFFFC000  }
0x2a0: {  	_ =	swait.ge [sflag:s7], $0x4000  }
0x2a1: {  	[sflag:s7] =	ssyncset.done $0x0  }
0x2a2: {  	[sflag:s7] =	ssyncadd.s32 $0xFFFFC000  }
0x2a3: {  	[tilespmem:s9], [sflag:$0x2] =	stream.indirect.gather [hbm4b:s4+s11], $0x80, s17, s11, $0xb8;
	[tilespmem:$0x8600] =	vst v63  }
0x2a4: {  	_ = 	snop  }
0x2a5: {  	[hbm4b:s18+s3] =	stream.linear.scatter [tilespmem:s12], [sflag:$0x3], $0x4000, $0x38;
	[tilespmem:$0x8600] =	vst v63  }
0x2a6: {  	_ =	swait.ge [sflag:s13], $0x4000  }
0x2a7: {  	[sflag:s13] =	ssyncset.done $0x0  }
0x2a8: {  	[sflag:s13] =	ssyncadd.s32 $0xFFFFC000  }
0x2a9: {  	_ =	swait.ge [sflag:s8], $0x4000  }
0x2aa: {  	[sflag:s8] =	ssyncset.done $0x0  }
0x2ab: {  	[sflag:s8] =	ssyncadd.s32 $0xFFFFC000  }
0x2ac: {  	[tilespmem:s12], [sflag:$0x1] =	stream.indirect.gather [hbm4b:s2+s11], $0x80, s19, s11, $0xb8;
	[tilespmem:$0x8600] =	vst v63  }
0x2ad: {  	_ = 	snop  }
0x2ae: {  	[hbm4b:s16+s3] =	stream.linear.scatter [tilespmem:s9], [sflag:$0x4], $0x4000, $0x38;
	[tilespmem:$0x8600] =	vst v63  }
0x2af: {  	_ =	swait.ge [sflag:s14], $0x4000  }
0x2b0: {  	[sflag:s14] =	ssyncset.done $0x0  }
0x2b1: {  	[sflag:s14] =	ssyncadd.s32 $0xFFFFC000  }
0x2b2: {  	_ =	swait.ge [sflag:s7], $0x4000  }
0x2b3: {  	[sflag:s7] =	ssyncset.done $0x0  }
0x2b4: {  	[sflag:s7] =	ssyncadd.s32 $0xFFFFC000  }
0x2b5: {  	[tilespmem:s9], [sflag:$0x2] =	stream.indirect.gather [hbm4b:s2+s11], $0x80, s21, s11, $0xb8;
	[tilespmem:$0x8600] =	vst v63  }
0x2b6: {  	_ = 	snop  }
0x2b7: {  	[hbm4b:s15+s3] =	stream.linear.scatter [tilespmem:s12], [sflag:$0x3], $0x4000, $0x38;
	[tilespmem:$0x8600] =	vst v63  }
0x2b8: {  	_ =	swait.ge [sflag:s13], $0x4000  }
0x2b9: {  	[sflag:s13] =	ssyncset.done $0x0  }
0x2ba: {  	[sflag:s13] =	ssyncadd.s32 $0xFFFFC000  }
0x2bb: {  	_ =	swait.ge [sflag:s8], $0x4000  }
0x2bc: {  	[sflag:s8] =	ssyncset.done $0x0  }
0x2bd: {  	[sflag:s8] =	ssyncadd.s32 $0xFFFFC000  }
0x2be: {  	[tilespmem:s12], [sflag:$0x1] =	stream.indirect.gather [hbm4b:s2+s11], $0x80, s20, s11, $0xb8;
	[tilespmem:$0x8600] =	vst v63  }
0x2bf: {  	_ = 	snop  }
0x2c0: {  	[hbm4b:s10+s3] =	stream.linear.scatter [tilespmem:s9], [sflag:$0x4], $0x4000, $0x38;
	[tilespmem:$0x8600] =	vst v63  }
0x2c1: {  	_ =	swait.ge [sflag:s14], $0x4000  }
0x2c2: {  	[sflag:s14] =	ssyncset.done $0x0  }
0x2c3: {  	[sflag:s14] =	ssyncadd.s32 $0xFFFFC000  }
0x2c4: {  	_ =	swait.ge [sflag:s7], $0x4000  }
0x2c5: {  	[sflag:s7] =	ssyncset.done $0x0  }
0x2c6: {  	[sflag:s7] =	ssyncadd.s32 $0xFFFFC000  }
0x2c7: {  	[tilespmem:s9], [sflag:$0x2] =	stream.indirect.gather [hbm4b:s2+s11], $0x80, s17, s11, $0xb8;
	[tilespmem:$0x8600] =	vst v63  }
0x2c8: {  	_ = 	snop  }
0x2c9: {  	[hbm4b:s6+s3] =	stream.linear.scatter [tilespmem:s12], [sflag:$0x3], $0x4000, $0x38;
	[tilespmem:$0x8600] =	vst v63  }
0x2ca: {  	_ =	swait.ge [sflag:s13], $0x4000  }
0x2cb: {  	[sflag:s13] =	ssyncset.done $0x0  }
0x2cc: {  	[sflag:s13] =	ssyncadd.s32 $0xFFFFC000  }
0x2cd: {  	[hbm4b:s5+s3] =	stream.linear.scatter [tilespmem:s9], [sflag:$0x4], $0x4000, $0x38;
	[tilespmem:$0x8600] =	vst v63  }
0x2ce: {  	_ =	swait.ge [sflag:s8], $0x4000  }
0x2cf: {  	[sflag:s8] =	ssyncset.done $0x0  }
0x2d0: {  	[sflag:s8] =	ssyncadd.s32 $0xFFFFC000  }
0x2d1: {  	_ =	swait.ge [sflag:s7], $0x4000  }
0x2d2: {  	[sflag:s7] =	ssyncset.done $0x0  }
0x2d3: {  	[sflag:s7] =	ssyncadd.s32 $0xFFFFC000  }
0x2d4: {  	_ =	sfence.sel $0x180000  }
0x2d5: {  	[bflag:$0x0] =	sbarrier.arrive $0xFFFF  }
0x2d6: {  	_ =	strace $0x90000047  }
0x2d7: {  	s31 =	stileid.u32;
	[bflag:$0x2] =	sbarrier.arrive $0xFFFF  }
0x2d8: {  	p0 =	sne.s32 s31, $0x0;
	s0 =	rddreg [dreg:$0xd]  }
0x2d9: {  	s0 =	sadd.s32 @!p0 $0x100000, s0  }
0x2da: {  	[sflag:s0] =	ssyncadd.tile.s32 @!p0 $0x1;
	_ =	shalt  }
.Lfunc_end2:
_tile_overlayer_lowered:
.L_overlay_start_2:
0x2db: {  	(tag) =	ssettag $0x2  }
0x2dc: {  	s0 =	rddreg [dreg:$0x0];
	s2 =	stileid.u32  }
0x2dd: {  	s1 =	rddreg [dreg:$0x1];
	p0 =	sne.s32 s2, $0x0  }
0x2de: {  	s3 =	rddreg [dreg:$0x2];
	[bflag:$0x3] =	sbarrier.arrive $0xFFFF;
	s2 =	simm.s32 @!p0 $0x1C05  }
0x2df: {  	[timem:s3], [sflag:s2] =	dma.local @!p0 [hbm:s0], s1  }
0x2e0: {  	s0 =	simm.s32 @!p0 $0x5  }
0x2e1: {  	_ =	swait.ge @!p0 [sflag:s0], s1  }
0x2e2: {  	s1 =	ssub.s32 @!p0 $0x0, s1;
	[sflag:s0] =	ssyncset.done @!p0 $0x0  }
0x2e3: {  	[sflag:s0] =	ssyncadd.s32 @!p0 s1  }
0x2e4: {  	[bflag:$0x3] =	sbarrier.arrive $0xFFFF  }
0x2e5: {  	_ =	shalt  }

</sc_bundles>
